<compile_context>
chip_gen: v7x
topology: tpu7x:2x2x1
jax: 0.10.2.dev20260603
libtpu: 0.0.44.dev20260713+nightly
codegen_flags: <defaults>
</compile_context>

<pallas_src>
import functools

import jax
import jax.numpy as jnp
from jax import lax
from jax.experimental import pallas as pl
from jax.experimental.pallas import tpu as pltpu
from jax.experimental.pallas import tpu_sc as plsc

N = 10000
E = 320000
D = 128

NC = 2
NS = 16
NW = NC * NS

CH = 80
TPW = CH * 128
E_PAD = NW * TPW
N_ACC = 10112
DUMMY = 10016
RPT = N_ACC // NS
PH = 2
CH_C0 = 128
CH_C1 = 32
CPP = max(CH_C0, CH_C1) // PH
EXTRA_ROWS = CPP

_MESH = plsc.VectorSubcoreMesh(
    core_axis_name="c", subcore_axis_name="s", num_cores=NC, num_subcores=NS
)


def _make_deg_kernel(w):
    def _deg_body(dst2d, ones, zeros, out, dst_all, ones_v, acc, sem):
        c = lax.axis_index("c")
        s = lax.axis_index("s")
        wid = c * NS + s
        pltpu.sync_copy(zeros, acc.at[pl.ds(s * RPT, RPT)])
        pltpu.sync_copy(ones, ones_v)
        pltpu.sync_copy(dst2d.at[pl.ds(wid * CH, CH)], dst_all)
        plsc.subcore_barrier()

        def chunk(j, carry):
            pltpu.sync_copy(ones_v, acc.at[dst_all.at[j]], add=True)
            return carry

        lax.fori_loop(0, CH, chunk, 0)
        plsc.subcore_barrier()
        pltpu.sync_copy(acc.at[pl.ds(s * RPT, RPT)], out.at[c, pl.ds(s * RPT, RPT)])

    return functools.partial(
        pl.kernel,
        out_type=jax.ShapeDtypeStruct((NC, N_ACC, w), jnp.float32),
        mesh=_MESH,
        scratch_types=[
            pltpu.VMEM((CH, 128), jnp.int32),
            pltpu.VMEM((128, w), jnp.float32),
            pltpu.VMEM_SHARED((N_ACC, w), jnp.float32),
            pltpu.SemaphoreType.DMA,
        ],
    )(_deg_body)


_DEG_W = 128
_deg_kernel = _make_deg_kernel(_DEG_W)


def _make_agg_kernel(ch0, ch1, nph, scatter=True):
    cpp = max(ch0, ch1) // nph

    def _agg_body(src2d, dst2d, y, zeros, out, src_all, dst_all, buf0, buf1,
                  acc, sem0, sem1):
        c = lax.axis_index("c")
        s = lax.axis_index("s")
        pltpu.sync_copy(zeros, acc.at[pl.ds(s * RPT, RPT)])
        plsc.subcore_barrier()

        nch = jnp.where(c == 0, ch0, ch1)
        tile_base = jnp.where(c == 0, s * ch0, NS * ch0 + s * ch1)
        npp = nch // nph

        for ph in range(nph):
            base = pl.multiple_of(tile_base + ph * npp, 8)
            pltpu.sync_copy(src2d.at[pl.ds(base, cpp)], src_all)
            pltpu.sync_copy(dst2d.at[pl.ds(base, cpp)], dst_all)

            @pl.when(npp > 0)
            def _():
                pltpu.async_copy(y.at[src_all.at[0]], buf0, sem0)

            def pair(j, carry):
                k0 = 2 * j
                k1 = 2 * j + 1
                pltpu.make_async_copy(y.at[src_all.at[k0]], buf0, sem0).wait()
                pltpu.async_copy(y.at[src_all.at[k1]], buf1, sem1)
                if scatter:
                    pltpu.sync_copy(buf0, acc.at[dst_all.at[k0]], add=True)
                pltpu.make_async_copy(y.at[src_all.at[k1]], buf1, sem1).wait()

                @pl.when(k1 + 1 < npp)
                def _():
                    pltpu.async_copy(y.at[src_all.at[k1 + 1]], buf0, sem0)

                if scatter:
                    pltpu.sync_copy(buf1, acc.at[dst_all.at[k1]], add=True)
                return carry

            lax.fori_loop(0, npp // 2, pair, 0)

        plsc.subcore_barrier()
        pltpu.sync_copy(acc.at[pl.ds(s * RPT, RPT)], out.at[c, pl.ds(s * RPT, RPT)])

    return functools.partial(
        pl.kernel,
        out_type=jax.ShapeDtypeStruct((NC, N_ACC, D), jnp.float32),
        mesh=_MESH,
        scratch_types=[
            pltpu.VMEM((cpp, 128), jnp.int32),
            pltpu.VMEM((cpp, 128), jnp.int32),
            pltpu.VMEM((128, D), jnp.float32),
            pltpu.VMEM((128, D), jnp.float32),
            pltpu.VMEM_SHARED((N_ACC, D), jnp.float32),
            pltpu.SemaphoreType.DMA,
            pltpu.SemaphoreType.DMA,
        ],
    )(_agg_body)


_agg_kernel = _make_agg_kernel(CH_C0, CH_C1, PH)


def _make_agg_kernel_2y(ch0, ch1, nph):
    cpp = max(ch0, ch1) // nph

    def _agg_body(src2d, dst2d, y0, y1, zeros, out, src_all, dst_all,
                  buf0, buf1, acc, sem0, sem1):
        c = lax.axis_index("c")
        s = lax.axis_index("s")
        pltpu.sync_copy(zeros, acc.at[pl.ds(s * RPT, RPT)])
        plsc.subcore_barrier()

        nch = jnp.where(c == 0, ch0, ch1)
        tile_base = jnp.where(c == 0, s * ch0, NS * ch0 + s * ch1)
        npp = nch // nph

        def run(yref):
            for ph in range(nph):
                base = pl.multiple_of(
                    jnp.minimum(tile_base + ph * npp, NS * (ch0 + ch1) - cpp), 8)
                pltpu.sync_copy(src2d.at[pl.ds(base, cpp)], src_all)
                pltpu.sync_copy(dst2d.at[pl.ds(base, cpp)], dst_all)

                @pl.when(npp > 0)
                def _():
                    pltpu.async_copy(yref.at[src_all.at[0]], buf0, sem0)

                def pair(j, carry):
                    k0 = 2 * j
                    k1 = 2 * j + 1
                    pltpu.make_async_copy(yref.at[src_all.at[k0]], buf0, sem0).wait()
                    pltpu.async_copy(yref.at[src_all.at[k1]], buf1, sem1)
                    pltpu.sync_copy(buf0, acc.at[dst_all.at[k0]], add=True)
                    pltpu.make_async_copy(yref.at[src_all.at[k1]], buf1, sem1).wait()

                    @pl.when(k1 + 1 < npp)
                    def _():
                        pltpu.async_copy(yref.at[src_all.at[k1 + 1]], buf0, sem0)

                    pltpu.sync_copy(buf1, acc.at[dst_all.at[k1]], add=True)
                    return carry

                lax.fori_loop(0, npp // 2, pair, 0)

        @pl.when(c == 0)
        def _():
            run(y0)

        @pl.when(c == 1)
        def _():
            run(y1)

        plsc.subcore_barrier()
        pltpu.sync_copy(acc.at[pl.ds(s * RPT, RPT)], out.at[c, pl.ds(s * RPT, RPT)])

    return functools.partial(
        pl.kernel,
        out_type=jax.ShapeDtypeStruct((NC, N_ACC, D), jnp.float32),
        mesh=_MESH,
        scratch_types=[
            pltpu.VMEM((cpp, 128), jnp.int32),
            pltpu.VMEM((cpp, 128), jnp.int32),
            pltpu.VMEM((128, D), jnp.float32),
            pltpu.VMEM((128, D), jnp.float32),
            pltpu.VMEM_SHARED((N_ACC, D), jnp.float32),
            pltpu.SemaphoreType.DMA,
            pltpu.SemaphoreType.DMA,
        ],
    )(_agg_body)


def _make_agg_kernel64(ch0, ch1, nph):
    cpp = max(ch0, ch1) // nph
    nrows = NS * (ch0 + ch1)

    def _agg_body(src2d, dst2d, y, zeros, out, src_all, dst_all,
                  b0, b1, b2, b3, acc, s0, s1, s2, s3):
        c = lax.axis_index("c")
        s = lax.axis_index("s")
        pltpu.sync_copy(zeros, acc.at[pl.ds(s * RPT, RPT)])
        plsc.subcore_barrier()

        bufs = (b0, b1, b2, b3)
        sems = (s0, s1, s2, s3)
        nch = jnp.where(c == 0, ch0, ch1)
        tile_base = jnp.where(c == 0, s * ch0, NS * ch0 + s * ch1)
        npp = nch // nph

        for ph in range(nph):
            base = pl.multiple_of(
                jnp.minimum(tile_base + ph * npp, nrows - cpp), 8)
            pltpu.sync_copy(src2d.at[pl.ds(base, cpp)], src_all)
            pltpu.sync_copy(dst2d.at[pl.ds(base, cpp)], dst_all)
            for i in range(3):
                @pl.when(i < npp)
                def _():
                    pltpu.async_copy(y.at[src_all.at[i]], bufs[i], sems[i])

            def quad(j, carry):
                for i in range(4):
                    k = 4 * j + i
                    b, sm = bufs[i], sems[i]
                    pltpu.make_async_copy(y.at[src_all.at[k]], b, sm).wait()

                    @pl.when(k + 3 < npp)
                    def _():
                        pltpu.async_copy(
                            y.at[src_all.at[k + 3]], bufs[(i + 3) % 4],
                            sems[(i + 3) % 4])

                    pltpu.sync_copy(b, acc.at[dst_all.at[k]], add=True)
                return carry

            lax.fori_loop(0, npp // 4, quad, 0)

        plsc.subcore_barrier()
        pltpu.sync_copy(acc.at[pl.ds(s * RPT, RPT)], out.at[c, pl.ds(s * RPT, RPT)])

    return functools.partial(
        pl.kernel,
        out_type=jax.ShapeDtypeStruct((NC, N_ACC, D), jnp.float32),
        mesh=_MESH,
        scratch_types=[
            pltpu.VMEM((cpp, 64), jnp.int32),
            pltpu.VMEM((cpp, 64), jnp.int32),
            pltpu.VMEM((64, D), jnp.float32),
            pltpu.VMEM((64, D), jnp.float32),
            pltpu.VMEM((64, D), jnp.float32),
            pltpu.VMEM((64, D), jnp.float32),
            pltpu.VMEM_SHARED((N_ACC, D), jnp.float32),
            pltpu.SemaphoreType.DMA,
            pltpu.SemaphoreType.DMA,
            pltpu.SemaphoreType.DMA,
            pltpu.SemaphoreType.DMA,
        ],
    )(_agg_body)


_RB = 1000
_GRID = N // _RB


def _tca_body(x_ref, w1_ref, degp_ref, y1_ref, dis_ref):
    xw = jnp.dot(x_ref[...], w1_ref[...], preferred_element_type=jnp.float32)
    deg = degp_ref[0, :, 0:1] + degp_ref[1, :, 0:1] + 1.0
    dis = lax.rsqrt(deg)
    dis_ref[...] = dis
    y1_ref[...] = dis * xw


def _tca(x, w1, degp):
    return pl.pallas_call(
        _tca_body,
        grid=(_GRID,),
        in_specs=[
            pl.BlockSpec((_RB, D), lambda r: (r, 0)),
            pl.BlockSpec((D, D), lambda r: (0, 0)),
            pl.BlockSpec((2, _RB, 128), lambda r: (0, r, 0)),
        ],
        out_specs=[
            pl.BlockSpec((_RB, D), lambda r: (r, 0)),
            pl.BlockSpec((_RB, 1), lambda r: (r, 0)),
        ],
        out_shape=[
            jax.ShapeDtypeStruct((N, D), jnp.float32),
            jax.ShapeDtypeStruct((N, 1), jnp.float32),
        ],
    )(x, w1, degp)


def _tcb_body(p_ref, y1_ref, dis_ref, b1_ref, w2_ref, y2_ref):
    dis = dis_ref[...]
    h = jax.nn.relu(dis * (p_ref[0] + p_ref[1] + y1_ref[...]) + b1_ref[...])
    y2_ref[...] = dis * jnp.dot(h, w2_ref[...], preferred_element_type=jnp.float32)


def _tcb(p, y1, dis, b1, w2):
    return pl.pallas_call(
        _tcb_body,
        grid=(_GRID,),
        in_specs=[
            pl.BlockSpec((2, _RB, D), lambda r: (0, r, 0)),
            pl.BlockSpec((_RB, D), lambda r: (r, 0)),
            pl.BlockSpec((_RB, 1), lambda r: (r, 0)),
            pl.BlockSpec((1, D), lambda r: (0, 0)),
            pl.BlockSpec((D, D), lambda r: (0, 0)),
        ],
        out_specs=pl.BlockSpec((_RB, D), lambda r: (r, 0)),
        out_shape=jax.ShapeDtypeStruct((N, D), jnp.float32),
    )(p, y1, dis, b1, w2)


def _tcc_body(q_ref, y2_ref, dis_ref, b2_ref, out_ref):
    o = dis_ref[...] * (q_ref[0] + q_ref[1] + y2_ref[...]) + b2_ref[...]
    t = o - jnp.max(o, axis=1, keepdims=True)
    lse = jnp.log(jnp.sum(jnp.exp(t), axis=1, keepdims=True))
    out_ref[...] = t - lse


def _tcc(q, y2, dis, b2):
    return pl.pallas_call(
        _tcc_body,
        grid=(_GRID,),
        in_specs=[
            pl.BlockSpec((2, _RB, D), lambda r: (0, r, 0)),
            pl.BlockSpec((_RB, D), lambda r: (r, 0)),
            pl.BlockSpec((_RB, 1), lambda r: (r, 0)),
            pl.BlockSpec((1, D), lambda r: (0, 0)),
        ],
        out_specs=pl.BlockSpec((_RB, D), lambda r: (r, 0)),
        out_shape=jax.ShapeDtypeStruct((N, D), jnp.float32),
    )(q, y2, dis, b2)


def kernel(x, edge_index, W1, b1, W2, b2):
    src = edge_index[0].astype(jnp.int32)
    dst = edge_index[1].astype(jnp.int32)
    pad = E_PAD - E + EXTRA_ROWS * 128
    src2d = jnp.concatenate([src, jnp.zeros((pad,), jnp.int32)]).reshape(-1, 128)
    dst2d = jnp.concatenate([dst, jnp.full((pad,), DUMMY, jnp.int32)]).reshape(-1, 128)
    ones16 = jnp.ones((128, _DEG_W), jnp.float32)
    zeros16 = jnp.zeros((RPT, _DEG_W), jnp.float32)
    zerosD = jnp.zeros((RPT, D), jnp.float32)

    degp = _deg_kernel(dst2d, ones16, zeros16)
    y1, dis = _tca(x, W1, degp)
    p = _agg_kernel(src2d, dst2d, y1, zerosD)
    y2 = _tcb(p, y1, dis, b1.reshape(1, D), W2)
    q = _agg_kernel(src2d, dst2d, y2, zerosD)
    return _tcc(q, y2, dis, b2.reshape(1, D))

# --- scband reference (transcript-rebuilt; emitter-appended) ---
"""Pipeline reference for scband-gcn-17815524343826 (READ-ONLY COPY).

The authoritative reference and input builder live on the scoring server;
editing this copy changes nothing except your own understanding.
"""

import jax, jax.numpy as jnp
import numpy as np

N_NODES = 10000
N_EDGES = 320000
D_IN = 128
D_HID = 128
D_OUT = 128


def setup_inputs(seed: int = 0) -> dict:
    key = jax.random.key(seed)
    k1, k2, k3, k4, k5, k6 = jax.random.split(key, 6)
    x = jax.random.normal(k1, (N_NODES, D_IN), dtype=jnp.float32)
    edge_index = jax.random.randint(k2, (2, N_EDGES), 0, N_NODES, dtype=jnp.int64)
    W1 = jax.random.normal(k3, (D_IN, D_HID), dtype=jnp.float32) * (1.0 / np.sqrt(D_IN))
    b1 = jnp.zeros((D_HID,), dtype=jnp.float32)
    W2 = jax.random.normal(k4, (D_HID, D_OUT), dtype=jnp.float32) * (1.0 / np.sqrt(D_HID))
    b2 = jnp.zeros((D_OUT,), dtype=jnp.float32)
    return {"x": x, "edge_index": edge_index, "W1": W1, "b1": b1, "W2": W2, "b2": b2}


def gcn_conv(x, edge_index, W, b):
    num_nodes = x.shape[0]
    xw = x @ W
    src = edge_index[0]
    dst = edge_index[1]
    # add self-loops (PyG GCNConv default)
    loop = jnp.arange(num_nodes, dtype=src.dtype)
    src = jnp.concatenate([src, loop])
    dst = jnp.concatenate([dst, loop])
    # symmetric normalization D^{-1/2} (A+I) D^{-1/2}
    deg = jnp.zeros((num_nodes,), dtype=xw.dtype).at[dst].add(1.0)
    deg_inv_sqrt = jnp.where(deg > 0, jax.lax.rsqrt(deg), 0.0)
    norm = deg_inv_sqrt[src] * deg_inv_sqrt[dst]
    msgs = xw[src] * norm[:, None]
    out = jnp.zeros_like(xw).at[dst].add(msgs)
    return out + b


def reference(x, edge_index, W1, b1, W2, b2):
    h = jax.nn.relu(gcn_conv(x, edge_index, W1, b1))
    h = gcn_conv(h, edge_index, W2, b2)
    return jax.nn.log_softmax(h, axis=1)

if __name__ == "__main__":
    import jax
    _d = setup_inputs()
    print(jax.jit(kernel)(*tuple(_d.values())))

</pallas_src>

<mosaic_0001>
#map = affine_map<(d0, d1) -> (0, 0)>
#map1 = affine_map<(d0, d1) -> (0, 0, 0)>
module attributes {stable_mosaic.version = 14 : i64} {
  func.func @_agg_body(%arg0: i32, %arg1: i32, %arg2: memref<2624x128xi32, #tpu.memory_space<hbm>>, %arg3: memref<2624x128xi32, #tpu.memory_space<hbm>>, %arg4: memref<10000x128xf32, #tpu.memory_space<hbm>>, %arg5: memref<632x128xf32, #tpu.memory_space<hbm>>, %arg6: memref<2x10112x128xf32, #tpu.memory_space<hbm>>, %arg7: memref<64x128xi32, #tpu.memory_space<vmem>>, %arg8: memref<64x128xi32, #tpu.memory_space<vmem>>, %arg9: memref<128x128xf32, #tpu.memory_space<vmem>>, %arg10: memref<128x128xf32, #tpu.memory_space<vmem>>, %arg11: memref<10112x128xf32, #tpu.memory_space<vmem_shared>>, %arg12: memref<!tpu.dma_semaphore, #tpu.memory_space<semaphore_mem>>, %arg13: memref<!tpu.dma_semaphore, #tpu.memory_space<semaphore_mem>>) attributes {dimension_semantics = [#tpu.dimension_semantics<core_parallel>, #tpu.dimension_semantics<subcore_parallel>], iteration_bounds = array<i64: 2, 16>, scalar_prefetch = 0 : i64, scratch_operands = 7 : i64, tpu.core_type = #tpu.core_type<sc_vector_subcore>, window_params = [{transform_indices = #map}, {transform_indices = #map}, {transform_indices = #map}, {transform_indices = #map}, {transform_indices = #map1}]} {
    %mul3A = arith.constant 632 : i32
    %mul3A_0 = arith.muli %arg1, %mul3A : i32
    "tpu.region"() ({
      %run_scoped3A = tpu.sem_alloc : memref<!tpu.dma_semaphore, #tpu.memory_space<semaphore_mem>>
      %dma_start3A = arith.constant 0 : i32
      %dma_start3A_115 = tpu.memref_slice %arg11[%mul3A_0, %dma_start3A] : memref<10112x128xf32, #tpu.memory_space<vmem_shared>> -> memref<632x128xf32, #tpu.memory_space<vmem_shared>>
      tpu.enqueue_dma source(%arg5 : memref<632x128xf32, #tpu.memory_space<hbm>>) target(%dma_start3A_115 : memref<632x128xf32, #tpu.memory_space<vmem_shared>>) target_semaphore(%run_scoped3A : memref<!tpu.dma_semaphore, #tpu.memory_space<semaphore_mem>>)
      %dma_wait3A = arith.constant 0 : i32
      %dma_wait3A_116 = tpu.memref_slice %arg11[%mul3A_0, %dma_wait3A] : memref<10112x128xf32, #tpu.memory_space<vmem_shared>> -> memref<632x128xf32, #tpu.memory_space<vmem_shared>>
      tpu.wait_dma2 semaphore(%run_scoped3A : memref<!tpu.dma_semaphore, #tpu.memory_space<semaphore_mem>>) src(%arg5 : memref<632x128xf32, #tpu.memory_space<hbm>>) dst(%dma_wait3A_116 : memref<632x128xf32, #tpu.memory_space<vmem_shared>>)
      tpu.yield
    }) : () -> ()
    %barrier3A = arith.constant 0 : index
    tpu.barrier barrier_id(%barrier3A)
    %eq3A = arith.constant 0 : i32
    %eq3A_1 = arith.cmpi eq, %arg0, %eq3A : i32
    %jit3A = arith.constant 128 : i32
    %jit3A_2 = arith.constant 32 : i32
    %select_n3A = arith.select %eq3A_1, %jit3A, %jit3A_2 : i32
    %eq3A_3 = arith.constant 0 : i32
    %eq3A_4 = arith.cmpi eq, %arg0, %eq3A_3 : i32
    %mul3A_5 = arith.constant 128 : i32
    %mul3A_6 = arith.muli %arg1, %mul3A_5 : i32
    %mul3A_7 = arith.constant 32 : i32
    %mul3A_8 = arith.muli %arg1, %mul3A_7 : i32
    %add3A = arith.constant 2048 : i32
    %add3A_9 = arith.addi %add3A, %mul3A_8 : i32
    %select_n3A_10 = arith.select %eq3A_4, %mul3A_6, %add3A_9 : i32
    %jit3A_11 = arith.constant 2 : i32
    %div3A = arith.divsi %select_n3A, %jit3A_11 : i32
    %sign3A = arith.constant 0 : i32
    %sign3A_12 = arith.cmpi sgt, %select_n3A, %sign3A : i32
    %sign3A_13 = arith.extui %sign3A_12 : i1 to i32
    %sign3A_14 = arith.constant 0 : i32
    %sign3A_15 = arith.cmpi slt, %select_n3A, %sign3A_14 : i32
    %sign3A_16 = arith.extui %sign3A_15 : i1 to i32
    %sign3A_17 = arith.subi %sign3A_13, %sign3A_16 : i32
    %sign3A_18 = arith.constant 0 : i32
    %sign3A_19 = arith.cmpi sgt, %jit3A_11, %sign3A_18 : i32
    %sign3A_20 = arith.extui %sign3A_19 : i1 to i32
    %sign3A_21 = arith.constant 0 : i32
    %sign3A_22 = arith.cmpi slt, %jit3A_11, %sign3A_21 : i32
    %sign3A_23 = arith.extui %sign3A_22 : i1 to i32
    %sign3A_24 = arith.subi %sign3A_20, %sign3A_23 : i32
    %ne3A = arith.cmpi ne, %sign3A_17, %sign3A_24 : i32
    %rem3A = arith.remsi %select_n3A, %jit3A_11 : i32
    %ne3A_25 = arith.constant 0 : i32
    %ne3A_26 = arith.cmpi ne, %rem3A, %ne3A_25 : i32
    %and3A = arith.andi %ne3A, %ne3A_26 : i1
    %sub3A = arith.constant 1 : i32
    %sub3A_27 = arith.subi %div3A, %sub3A : i32
    %select_n3A_28 = arith.select %and3A, %sub3A_27, %div3A : i32
    %mul3A_29 = arith.constant 0 : i32
    %mul3A_30 = arith.muli %mul3A_29, %select_n3A_28 : i32
    %add3A_31 = arith.addi %select_n3A_10, %mul3A_30 : i32
    %multiple_of3A = tpu.assume_multiple %add3A_31, 8 : i32
    "tpu.region"() ({
      %run_scoped3A = tpu.sem_alloc : memref<!tpu.dma_semaphore, #tpu.memory_space<semaphore_mem>>
      %dma_start3A = arith.constant 0 : i32
      %dma_start3A_115 = tpu.memref_slice %arg2[%multiple_of3A, %dma_start3A] : memref<2624x128xi32, #tpu.memory_space<hbm>> -> memref<64x128xi32, #tpu.memory_space<hbm>>
      %dma_start3A_116 = arith.constant 0 : i32
      %dma_start3A_117 = tpu.memref_slice %arg2[%multiple_of3A, %dma_start3A_116] : memref<2624x128xi32, #tpu.memory_space<hbm>> -> memref<64x128xi32, #tpu.memory_space<hbm>>
      tpu.enqueue_dma source(%dma_start3A_117 : memref<64x128xi32, #tpu.memory_space<hbm>>) target(%arg7 : memref<64x128xi32, #tpu.memory_space<vmem>>) target_semaphore(%run_scoped3A : memref<!tpu.dma_semaphore, #tpu.memory_space<semaphore_mem>>)
      %dma_wait3A = arith.constant 0 : i32
      %dma_wait3A_118 = tpu.memref_slice %arg2[%multiple_of3A, %dma_wait3A] : memref<2624x128xi32, #tpu.memory_space<hbm>> -> memref<64x128xi32, #tpu.memory_space<hbm>>
      %dma_wait3A_119 = arith.constant 0 : i32
      %dma_wait3A_120 = tpu.memref_slice %arg2[%multiple_of3A, %dma_wait3A_119] : memref<2624x128xi32, #tpu.memory_space<hbm>> -> memref<64x128xi32, #tpu.memory_space<hbm>>
      tpu.wait_dma2 semaphore(%run_scoped3A : memref<!tpu.dma_semaphore, #tpu.memory_space<semaphore_mem>>) src(%dma_wait3A_120 : memref<64x128xi32, #tpu.memory_space<hbm>>) dst(%arg7 : memref<64x128xi32, #tpu.memory_space<vmem>>)
      tpu.yield
    }) : () -> ()
    "tpu.region"() ({
      %run_scoped3A = tpu.sem_alloc : memref<!tpu.dma_semaphore, #tpu.memory_space<semaphore_mem>>
      %dma_start3A = arith.constant 0 : i32
      %dma_start3A_115 = tpu.memref_slice %arg3[%multiple_of3A, %dma_start3A] : memref<2624x128xi32, #tpu.memory_space<hbm>> -> memref<64x128xi32, #tpu.memory_space<hbm>>
      %dma_start3A_116 = arith.constant 0 : i32
      %dma_start3A_117 = tpu.memref_slice %arg3[%multiple_of3A, %dma_start3A_116] : memref<2624x128xi32, #tpu.memory_space<hbm>> -> memref<64x128xi32, #tpu.memory_space<hbm>>
      tpu.enqueue_dma source(%dma_start3A_117 : memref<64x128xi32, #tpu.memory_space<hbm>>) target(%arg8 : memref<64x128xi32, #tpu.memory_space<vmem>>) target_semaphore(%run_scoped3A : memref<!tpu.dma_semaphore, #tpu.memory_space<semaphore_mem>>)
      %dma_wait3A = arith.constant 0 : i32
      %dma_wait3A_118 = tpu.memref_slice %arg3[%multiple_of3A, %dma_wait3A] : memref<2624x128xi32, #tpu.memory_space<hbm>> -> memref<64x128xi32, #tpu.memory_space<hbm>>
      %dma_wait3A_119 = arith.constant 0 : i32
      %dma_wait3A_120 = tpu.memref_slice %arg3[%multiple_of3A, %dma_wait3A_119] : memref<2624x128xi32, #tpu.memory_space<hbm>> -> memref<64x128xi32, #tpu.memory_space<hbm>>
      tpu.wait_dma2 semaphore(%run_scoped3A : memref<!tpu.dma_semaphore, #tpu.memory_space<semaphore_mem>>) src(%dma_wait3A_120 : memref<64x128xi32, #tpu.memory_space<hbm>>) dst(%arg8 : memref<64x128xi32, #tpu.memory_space<vmem>>)
      tpu.yield
    }) : () -> ()
    %gt3A = arith.constant 0 : i32
    %gt3A_32 = arith.cmpi sgt, %select_n3A_28, %gt3A : i32
    %convert_element_type3A = arith.extui %gt3A_32 : i1 to i32
    %cond3A = arith.constant 0 : i32
    %cond3A_33 = arith.cmpi ne, %convert_element_type3A, %cond3A : i32
    scf.if %cond3A_33 {
      %dma_start3A = arith.constant 0 : i32
      %dma_start3A_115 = arith.constant 0 : i32
      %dma_start3A_116 = tpu.memref_slice %arg7[%dma_start3A, %dma_start3A_115] : memref<64x128xi32, #tpu.memory_space<vmem>> -> memref<1x128xi32, #tpu.memory_space<vmem>>
      %dma_start3A_117 = tpu.memref_squeeze %dma_start3A_116 : memref<1x128xi32, #tpu.memory_space<vmem>> -> memref<128xi32, #tpu.memory_space<vmem>>
      %dma_start3A_118 = arith.constant 0 : i32
      %dma_start3A_119 = arith.constant 0 : i32
      %dma_start3A_120 = tpu.memref_slice %arg4[%dma_start3A_118, %dma_start3A_119] : memref<10000x128xf32, #tpu.memory_space<hbm>> -> memref<10000x128xf32, #tpu.memory_space<hbm>>
      tpu.enqueue_indirect_dma source(%dma_start3A_120 : memref<10000x128xf32, #tpu.memory_space<hbm>>) target(%arg9 : memref<128x128xf32, #tpu.memory_space<vmem>>) offsets(%dma_start3A_117 : memref<128xi32, #tpu.memory_space<vmem>>) semaphore(%arg12 : memref<!tpu.dma_semaphore, #tpu.memory_space<semaphore_mem>>)
    } else {
    }
    %jit3A_34 = arith.constant 2 : i32
    %div3A_35 = arith.divsi %select_n3A_28, %jit3A_34 : i32
    %sign3A_36 = arith.constant 0 : i32
    %sign3A_37 = arith.cmpi sgt, %select_n3A_28, %sign3A_36 : i32
    %sign3A_38 = arith.extui %sign3A_37 : i1 to i32
    %sign3A_39 = arith.constant 0 : i32
    %sign3A_40 = arith.cmpi slt, %select_n3A_28, %sign3A_39 : i32
    %sign3A_41 = arith.extui %sign3A_40 : i1 to i32
    %sign3A_42 = arith.subi %sign3A_38, %sign3A_41 : i32
    %sign3A_43 = arith.constant 0 : i32
    %sign3A_44 = arith.cmpi sgt, %jit3A_34, %sign3A_43 : i32
    %sign3A_45 = arith.extui %sign3A_44 : i1 to i32
    %sign3A_46 = arith.constant 0 : i32
    %sign3A_47 = arith.cmpi slt, %jit3A_34, %sign3A_46 : i32
    %sign3A_48 = arith.extui %sign3A_47 : i1 to i32
    %sign3A_49 = arith.subi %sign3A_45, %sign3A_48 : i32
    %ne3A_50 = arith.cmpi ne, %sign3A_42, %sign3A_49 : i32
    %rem3A_51 = arith.remsi %select_n3A_28, %jit3A_34 : i32
    %ne3A_52 = arith.constant 0 : i32
    %ne3A_53 = arith.cmpi ne, %rem3A_51, %ne3A_52 : i32
    %and3A_54 = arith.andi %ne3A_50, %ne3A_53 : i1
    %sub3A_55 = arith.constant 1 : i32
    %sub3A_56 = arith.subi %div3A_35, %sub3A_55 : i32
    %select_n3A_57 = arith.select %and3A_54, %sub3A_56, %div3A_35 : i32
    %while3A = arith.constant 0 : i32
    %while3A_58 = arith.constant 0 : i32
    %while3A_59 = arith.subi %select_n3A_57, %while3A_58 : i32
    %while3A_60 = arith.addi %while3A_58, %while3A_59 : i32
    %while3A_61 = arith.constant 1 : i32
    %while3A_62 = arith.divsi %while3A_59, %while3A_61 : i32
    %while3A_63 = arith.muli %while3A_62, %while3A_61 : i32
    %while3A_64 = arith.addi %while3A_58, %while3A_63 : i32
    %while3A_65 = arith.constant 1 : i32
    scf.for %while3A_115 = %while3A_58 to %while3A_64 step %while3A_65  : i32 {
      %mul3A_116 = arith.constant 2 : i32
      %mul3A_117 = arith.muli %mul3A_116, %while3A_115 : i32
      %mul3A_118 = arith.constant 2 : i32
      %mul3A_119 = arith.muli %mul3A_118, %while3A_115 : i32
      %add3A_120 = arith.constant 1 : i32
      %add3A_121 = arith.addi %mul3A_119, %add3A_120 : i32
      %dma_wait3A = arith.constant 0 : i32
      %dma_wait3A_122 = tpu.memref_slice %arg7[%mul3A_117, %dma_wait3A] : memref<64x128xi32, #tpu.memory_space<vmem>> -> memref<1x128xi32, #tpu.memory_space<vmem>>
      %dma_wait3A_123 = tpu.memref_squeeze %dma_wait3A_122 : memref<1x128xi32, #tpu.memory_space<vmem>> -> memref<128xi32, #tpu.memory_space<vmem>>
      %dma_wait3A_124 = arith.constant 0 : i32
      %dma_wait3A_125 = arith.constant 0 : i32
      %dma_wait3A_126 = tpu.memref_slice %arg4[%dma_wait3A_124, %dma_wait3A_125] : memref<10000x128xf32, #tpu.memory_space<hbm>> -> memref<10000x128xf32, #tpu.memory_space<hbm>>
      tpu.wait_indirect_dma semaphore(%arg12 : memref<!tpu.dma_semaphore, #tpu.memory_space<semaphore_mem>>) src(%dma_wait3A_126 : memref<10000x128xf32, #tpu.memory_space<hbm>>) dst(%arg9 : memref<128x128xf32, #tpu.memory_space<vmem>>)
      %dma_start3A = arith.constant 0 : i32
      %dma_start3A_127 = tpu.memref_slice %arg7[%add3A_121, %dma_start3A] : memref<64x128xi32, #tpu.memory_space<vmem>> -> memref<1x128xi32, #tpu.memory_space<vmem>>
      %dma_start3A_128 = tpu.memref_squeeze %dma_start3A_127 : memref<1x128xi32, #tpu.memory_space<vmem>> -> memref<128xi32, #tpu.memory_space<vmem>>
      %dma_start3A_129 = arith.constant 0 : i32
      %dma_start3A_130 = arith.constant 0 : i32
      %dma_start3A_131 = tpu.memref_slice %arg4[%dma_start3A_129, %dma_start3A_130] : memref<10000x128xf32, #tpu.memory_space<hbm>> -> memref<10000x128xf32, #tpu.memory_space<hbm>>
      tpu.enqueue_indirect_dma source(%dma_start3A_131 : memref<10000x128xf32, #tpu.memory_space<hbm>>) target(%arg10 : memref<128x128xf32, #tpu.memory_space<vmem>>) offsets(%dma_start3A_128 : memref<128xi32, #tpu.memory_space<vmem>>) semaphore(%arg13 : memref<!tpu.dma_semaphore, #tpu.memory_space<semaphore_mem>>)
      "tpu.region"() ({
        %run_scoped3A = tpu.sem_alloc : memref<!tpu.dma_semaphore, #tpu.memory_space<semaphore_mem>>
        %dma_start3A_143 = arith.constant 0 : i32
        %dma_start3A_144 = tpu.memref_slice %arg8[%mul3A_117, %dma_start3A_143] : memref<64x128xi32, #tpu.memory_space<vmem>> -> memref<1x128xi32, #tpu.memory_space<vmem>>
        %dma_start3A_145 = tpu.memref_squeeze %dma_start3A_144 : memref<1x128xi32, #tpu.memory_space<vmem>> -> memref<128xi32, #tpu.memory_space<vmem>>
        %dma_start3A_146 = arith.constant 0 : i32
        %dma_start3A_147 = arith.constant 0 : i32
        %dma_start3A_148 = tpu.memref_slice %arg11[%dma_start3A_146, %dma_start3A_147] : memref<10112x128xf32, #tpu.memory_space<vmem_shared>> -> memref<10112x128xf32, #tpu.memory_space<vmem_shared>>
        tpu.enqueue_indirect_dma source(%arg9 : memref<128x128xf32, #tpu.memory_space<vmem>>) target(%dma_start3A_148 : memref<10112x128xf32, #tpu.memory_space<vmem_shared>>) offsets(%dma_start3A_145 : memref<128xi32, #tpu.memory_space<vmem>>) semaphore(%run_scoped3A : memref<!tpu.dma_semaphore, #tpu.memory_space<semaphore_mem>>) {add = true}
        %dma_wait3A_149 = arith.constant 0 : i32
        %dma_wait3A_150 = tpu.memref_slice %arg8[%mul3A_117, %dma_wait3A_149] : memref<64x128xi32, #tpu.memory_space<vmem>> -> memref<1x128xi32, #tpu.memory_space<vmem>>
        %dma_wait3A_151 = tpu.memref_squeeze %dma_wait3A_150 : memref<1x128xi32, #tpu.memory_space<vmem>> -> memref<128xi32, #tpu.memory_space<vmem>>
        %dma_wait3A_152 = arith.constant 0 : i32
        %dma_wait3A_153 = arith.constant 0 : i32
        %dma_wait3A_154 = tpu.memref_slice %arg11[%dma_wait3A_152, %dma_wait3A_153] : memref<10112x128xf32, #tpu.memory_space<vmem_shared>> -> memref<10112x128xf32, #tpu.memory_space<vmem_shared>>
        tpu.wait_indirect_dma semaphore(%run_scoped3A : memref<!tpu.dma_semaphore, #tpu.memory_space<semaphore_mem>>) src(%arg9 : memref<128x128xf32, #tpu.memory_space<vmem>>) dst(%dma_wait3A_154 : memref<10112x128xf32, #tpu.memory_space<vmem_shared>>)
        tpu.yield
      }) : () -> ()
      %dma_wait3A_132 = arith.constant 0 : i32
      %dma_wait3A_133 = tpu.memref_slice %arg7[%add3A_121, %dma_wait3A_132] : memref<64x128xi32, #tpu.memory_space<vmem>> -> memref<1x128xi32, #tpu.memory_space<vmem>>
      %dma_wait3A_134 = tpu.memref_squeeze %dma_wait3A_133 : memref<1x128xi32, #tpu.memory_space<vmem>> -> memref<128xi32, #tpu.memory_space<vmem>>
      %dma_wait3A_135 = arith.constant 0 : i32
      %dma_wait3A_136 = arith.constant 0 : i32
      %dma_wait3A_137 = tpu.memref_slice %arg4[%dma_wait3A_135, %dma_wait3A_136] : memref<10000x128xf32, #tpu.memory_space<hbm>> -> memref<10000x128xf32, #tpu.memory_space<hbm>>
      tpu.wait_indirect_dma semaphore(%arg13 : memref<!tpu.dma_semaphore, #tpu.memory_space<semaphore_mem>>) src(%dma_wait3A_137 : memref<10000x128xf32, #tpu.memory_space<hbm>>) dst(%arg10 : memref<128x128xf32, #tpu.memory_space<vmem>>)
      %add3A_138 = arith.constant 1 : i32
      %add3A_139 = arith.addi %add3A_121, %add3A_138 : i32
      %lt3A = arith.cmpi slt, %add3A_139, %select_n3A_28 : i32
      %convert_element_type3A_140 = arith.extui %lt3A : i1 to i32
      %cond3A_141 = arith.constant 0 : i32
      %cond3A_142 = arith.cmpi ne, %convert_element_type3A_140, %cond3A_141 : i32
      scf.if %cond3A_142 {
        %add3A_143 = arith.constant 1 : i32
        %add3A_144 = arith.addi %add3A_121, %add3A_143 : i32
        %dma_start3A_145 = arith.constant 0 : i32
        %dma_start3A_146 = tpu.memref_slice %arg7[%add3A_144, %dma_start3A_145] : memref<64x128xi32, #tpu.memory_space<vmem>> -> memref<1x128xi32, #tpu.memory_space<vmem>>
        %dma_start3A_147 = tpu.memref_squeeze %dma_start3A_146 : memref<1x128xi32, #tpu.memory_space<vmem>> -> memref<128xi32, #tpu.memory_space<vmem>>
        %dma_start3A_148 = arith.constant 0 : i32
        %dma_start3A_149 = arith.constant 0 : i32
        %dma_start3A_150 = tpu.memref_slice %arg4[%dma_start3A_148, %dma_start3A_149] : memref<10000x128xf32, #tpu.memory_space<hbm>> -> memref<10000x128xf32, #tpu.memory_space<hbm>>
        tpu.enqueue_indirect_dma source(%dma_start3A_150 : memref<10000x128xf32, #tpu.memory_space<hbm>>) target(%arg9 : memref<128x128xf32, #tpu.memory_space<vmem>>) offsets(%dma_start3A_147 : memref<128xi32, #tpu.memory_space<vmem>>) semaphore(%arg12 : memref<!tpu.dma_semaphore, #tpu.memory_space<semaphore_mem>>)
      } else {
      }
      "tpu.region"() ({
        %run_scoped3A = tpu.sem_alloc : memref<!tpu.dma_semaphore, #tpu.memory_space<semaphore_mem>>
        %dma_start3A_143 = arith.constant 0 : i32
        %dma_start3A_144 = tpu.memref_slice %arg8[%add3A_121, %dma_start3A_143] : memref<64x128xi32, #tpu.memory_space<vmem>> -> memref<1x128xi32, #tpu.memory_space<vmem>>
        %dma_start3A_145 = tpu.memref_squeeze %dma_start3A_144 : memref<1x128xi32, #tpu.memory_space<vmem>> -> memref<128xi32, #tpu.memory_space<vmem>>
        %dma_start3A_146 = arith.constant 0 : i32
        %dma_start3A_147 = arith.constant 0 : i32
        %dma_start3A_148 = tpu.memref_slice %arg11[%dma_start3A_146, %dma_start3A_147] : memref<10112x128xf32, #tpu.memory_space<vmem_shared>> -> memref<10112x128xf32, #tpu.memory_space<vmem_shared>>
        tpu.enqueue_indirect_dma source(%arg10 : memref<128x128xf32, #tpu.memory_space<vmem>>) target(%dma_start3A_148 : memref<10112x128xf32, #tpu.memory_space<vmem_shared>>) offsets(%dma_start3A_145 : memref<128xi32, #tpu.memory_space<vmem>>) semaphore(%run_scoped3A : memref<!tpu.dma_semaphore, #tpu.memory_space<semaphore_mem>>) {add = true}
        %dma_wait3A_149 = arith.constant 0 : i32
        %dma_wait3A_150 = tpu.memref_slice %arg8[%add3A_121, %dma_wait3A_149] : memref<64x128xi32, #tpu.memory_space<vmem>> -> memref<1x128xi32, #tpu.memory_space<vmem>>
        %dma_wait3A_151 = tpu.memref_squeeze %dma_wait3A_150 : memref<1x128xi32, #tpu.memory_space<vmem>> -> memref<128xi32, #tpu.memory_space<vmem>>
        %dma_wait3A_152 = arith.constant 0 : i32
        %dma_wait3A_153 = arith.constant 0 : i32
        %dma_wait3A_154 = tpu.memref_slice %arg11[%dma_wait3A_152, %dma_wait3A_153] : memref<10112x128xf32, #tpu.memory_space<vmem_shared>> -> memref<10112x128xf32, #tpu.memory_space<vmem_shared>>
        tpu.wait_indirect_dma semaphore(%run_scoped3A : memref<!tpu.dma_semaphore, #tpu.memory_space<semaphore_mem>>) src(%arg10 : memref<128x128xf32, #tpu.memory_space<vmem>>) dst(%dma_wait3A_154 : memref<10112x128xf32, #tpu.memory_space<vmem_shared>>)
        tpu.yield
      }) : () -> ()
    }
    %while3A_66 = arith.constant 1 : i32
    scf.for %while3A_115 = %while3A_64 to %while3A_60 step %while3A_66  : i32 {
      %mul3A_116 = arith.constant 2 : i32
      %mul3A_117 = arith.muli %mul3A_116, %while3A_115 : i32
      %mul3A_118 = arith.constant 2 : i32
      %mul3A_119 = arith.muli %mul3A_118, %while3A_115 : i32
      %add3A_120 = arith.constant 1 : i32
      %add3A_121 = arith.addi %mul3A_119, %add3A_120 : i32
      %dma_wait3A = arith.constant 0 : i32
      %dma_wait3A_122 = tpu.memref_slice %arg7[%mul3A_117, %dma_wait3A] : memref<64x128xi32, #tpu.memory_space<vmem>> -> memref<1x128xi32, #tpu.memory_space<vmem>>
      %dma_wait3A_123 = tpu.memref_squeeze %dma_wait3A_122 : memref<1x128xi32, #tpu.memory_space<vmem>> -> memref<128xi32, #tpu.memory_space<vmem>>
      %dma_wait3A_124 = arith.constant 0 : i32
      %dma_wait3A_125 = arith.constant 0 : i32
      %dma_wait3A_126 = tpu.memref_slice %arg4[%dma_wait3A_124, %dma_wait3A_125] : memref<10000x128xf32, #tpu.memory_space<hbm>> -> memref<10000x128xf32, #tpu.memory_space<hbm>>
      tpu.wait_indirect_dma semaphore(%arg12 : memref<!tpu.dma_semaphore, #tpu.memory_space<semaphore_mem>>) src(%dma_wait3A_126 : memref<10000x128xf32, #tpu.memory_space<hbm>>) dst(%arg9 : memref<128x128xf32, #tpu.memory_space<vmem>>)
      %dma_start3A = arith.constant 0 : i32
      %dma_start3A_127 = tpu.memref_slice %arg7[%add3A_121, %dma_start3A] : memref<64x128xi32, #tpu.memory_space<vmem>> -> memref<1x128xi32, #tpu.memory_space<vmem>>
      %dma_start3A_128 = tpu.memref_squeeze %dma_start3A_127 : memref<1x128xi32, #tpu.memory_space<vmem>> -> memref<128xi32, #tpu.memory_space<vmem>>
      %dma_start3A_129 = arith.constant 0 : i32
      %dma_start3A_130 = arith.constant 0 : i32
      %dma_start3A_131 = tpu.memref_slice %arg4[%dma_start3A_129, %dma_start3A_130] : memref<10000x128xf32, #tpu.memory_space<hbm>> -> memref<10000x128xf32, #tpu.memory_space<hbm>>
      tpu.enqueue_indirect_dma source(%dma_start3A_131 : memref<10000x128xf32, #tpu.memory_space<hbm>>) target(%arg10 : memref<128x128xf32, #tpu.memory_space<vmem>>) offsets(%dma_start3A_128 : memref<128xi32, #tpu.memory_space<vmem>>) semaphore(%arg13 : memref<!tpu.dma_semaphore, #tpu.memory_space<semaphore_mem>>)
      "tpu.region"() ({
        %run_scoped3A = tpu.sem_alloc : memref<!tpu.dma_semaphore, #tpu.memory_space<semaphore_mem>>
        %dma_start3A_143 = arith.constant 0 : i32
        %dma_start3A_144 = tpu.memref_slice %arg8[%mul3A_117, %dma_start3A_143] : memref<64x128xi32, #tpu.memory_space<vmem>> -> memref<1x128xi32, #tpu.memory_space<vmem>>
        %dma_start3A_145 = tpu.memref_squeeze %dma_start3A_144 : memref<1x128xi32, #tpu.memory_space<vmem>> -> memref<128xi32, #tpu.memory_space<vmem>>
        %dma_start3A_146 = arith.constant 0 : i32
        %dma_start3A_147 = arith.constant 0 : i32
        %dma_start3A_148 = tpu.memref_slice %arg11[%dma_start3A_146, %dma_start3A_147] : memref<10112x128xf32, #tpu.memory_space<vmem_shared>> -> memref<10112x128xf32, #tpu.memory_space<vmem_shared>>
        tpu.enqueue_indirect_dma source(%arg9 : memref<128x128xf32, #tpu.memory_space<vmem>>) target(%dma_start3A_148 : memref<10112x128xf32, #tpu.memory_space<vmem_shared>>) offsets(%dma_start3A_145 : memref<128xi32, #tpu.memory_space<vmem>>) semaphore(%run_scoped3A : memref<!tpu.dma_semaphore, #tpu.memory_space<semaphore_mem>>) {add = true}
        %dma_wait3A_149 = arith.constant 0 : i32
        %dma_wait3A_150 = tpu.memref_slice %arg8[%mul3A_117, %dma_wait3A_149] : memref<64x128xi32, #tpu.memory_space<vmem>> -> memref<1x128xi32, #tpu.memory_space<vmem>>
        %dma_wait3A_151 = tpu.memref_squeeze %dma_wait3A_150 : memref<1x128xi32, #tpu.memory_space<vmem>> -> memref<128xi32, #tpu.memory_space<vmem>>
        %dma_wait3A_152 = arith.constant 0 : i32
        %dma_wait3A_153 = arith.constant 0 : i32
        %dma_wait3A_154 = tpu.memref_slice %arg11[%dma_wait3A_152, %dma_wait3A_153] : memref<10112x128xf32, #tpu.memory_space<vmem_shared>> -> memref<10112x128xf32, #tpu.memory_space<vmem_shared>>
        tpu.wait_indirect_dma semaphore(%run_scoped3A : memref<!tpu.dma_semaphore, #tpu.memory_space<semaphore_mem>>) src(%arg9 : memref<128x128xf32, #tpu.memory_space<vmem>>) dst(%dma_wait3A_154 : memref<10112x128xf32, #tpu.memory_space<vmem_shared>>)
        tpu.yield
      }) : () -> ()
      %dma_wait3A_132 = arith.constant 0 : i32
      %dma_wait3A_133 = tpu.memref_slice %arg7[%add3A_121, %dma_wait3A_132] : memref<64x128xi32, #tpu.memory_space<vmem>> -> memref<1x128xi32, #tpu.memory_space<vmem>>
      %dma_wait3A_134 = tpu.memref_squeeze %dma_wait3A_133 : memref<1x128xi32, #tpu.memory_space<vmem>> -> memref<128xi32, #tpu.memory_space<vmem>>
      %dma_wait3A_135 = arith.constant 0 : i32
      %dma_wait3A_136 = arith.constant 0 : i32
      %dma_wait3A_137 = tpu.memref_slice %arg4[%dma_wait3A_135, %dma_wait3A_136] : memref<10000x128xf32, #tpu.memory_space<hbm>> -> memref<10000x128xf32, #tpu.memory_space<hbm>>
      tpu.wait_indirect_dma semaphore(%arg13 : memref<!tpu.dma_semaphore, #tpu.memory_space<semaphore_mem>>) src(%dma_wait3A_137 : memref<10000x128xf32, #tpu.memory_space<hbm>>) dst(%arg10 : memref<128x128xf32, #tpu.memory_space<vmem>>)
      %add3A_138 = arith.constant 1 : i32
      %add3A_139 = arith.addi %add3A_121, %add3A_138 : i32
      %lt3A = arith.cmpi slt, %add3A_139, %select_n3A_28 : i32
      %convert_element_type3A_140 = arith.extui %lt3A : i1 to i32
      %cond3A_141 = arith.constant 0 : i32
      %cond3A_142 = arith.cmpi ne, %convert_element_type3A_140, %cond3A_141 : i32
      scf.if %cond3A_142 {
        %add3A_143 = arith.constant 1 : i32
        %add3A_144 = arith.addi %add3A_121, %add3A_143 : i32
        %dma_start3A_145 = arith.constant 0 : i32
        %dma_start3A_146 = tpu.memref_slice %arg7[%add3A_144, %dma_start3A_145] : memref<64x128xi32, #tpu.memory_space<vmem>> -> memref<1x128xi32, #tpu.memory_space<vmem>>
        %dma_start3A_147 = tpu.memref_squeeze %dma_start3A_146 : memref<1x128xi32, #tpu.memory_space<vmem>> -> memref<128xi32, #tpu.memory_space<vmem>>
        %dma_start3A_148 = arith.constant 0 : i32
        %dma_start3A_149 = arith.constant 0 : i32
        %dma_start3A_150 = tpu.memref_slice %arg4[%dma_start3A_148, %dma_start3A_149] : memref<10000x128xf32, #tpu.memory_space<hbm>> -> memref<10000x128xf32, #tpu.memory_space<hbm>>
        tpu.enqueue_indirect_dma source(%dma_start3A_150 : memref<10000x128xf32, #tpu.memory_space<hbm>>) target(%arg9 : memref<128x128xf32, #tpu.memory_space<vmem>>) offsets(%dma_start3A_147 : memref<128xi32, #tpu.memory_space<vmem>>) semaphore(%arg12 : memref<!tpu.dma_semaphore, #tpu.memory_space<semaphore_mem>>)
      } else {
      }
      "tpu.region"() ({
        %run_scoped3A = tpu.sem_alloc : memref<!tpu.dma_semaphore, #tpu.memory_space<semaphore_mem>>
        %dma_start3A_143 = arith.constant 0 : i32
        %dma_start3A_144 = tpu.memref_slice %arg8[%add3A_121, %dma_start3A_143] : memref<64x128xi32, #tpu.memory_space<vmem>> -> memref<1x128xi32, #tpu.memory_space<vmem>>
        %dma_start3A_145 = tpu.memref_squeeze %dma_start3A_144 : memref<1x128xi32, #tpu.memory_space<vmem>> -> memref<128xi32, #tpu.memory_space<vmem>>
        %dma_start3A_146 = arith.constant 0 : i32
        %dma_start3A_147 = arith.constant 0 : i32
        %dma_start3A_148 = tpu.memref_slice %arg11[%dma_start3A_146, %dma_start3A_147] : memref<10112x128xf32, #tpu.memory_space<vmem_shared>> -> memref<10112x128xf32, #tpu.memory_space<vmem_shared>>
        tpu.enqueue_indirect_dma source(%arg10 : memref<128x128xf32, #tpu.memory_space<vmem>>) target(%dma_start3A_148 : memref<10112x128xf32, #tpu.memory_space<vmem_shared>>) offsets(%dma_start3A_145 : memref<128xi32, #tpu.memory_space<vmem>>) semaphore(%run_scoped3A : memref<!tpu.dma_semaphore, #tpu.memory_space<semaphore_mem>>) {add = true}
        %dma_wait3A_149 = arith.constant 0 : i32
        %dma_wait3A_150 = tpu.memref_slice %arg8[%add3A_121, %dma_wait3A_149] : memref<64x128xi32, #tpu.memory_space<vmem>> -> memref<1x128xi32, #tpu.memory_space<vmem>>
        %dma_wait3A_151 = tpu.memref_squeeze %dma_wait3A_150 : memref<1x128xi32, #tpu.memory_space<vmem>> -> memref<128xi32, #tpu.memory_space<vmem>>
        %dma_wait3A_152 = arith.constant 0 : i32
        %dma_wait3A_153 = arith.constant 0 : i32
        %dma_wait3A_154 = tpu.memref_slice %arg11[%dma_wait3A_152, %dma_wait3A_153] : memref<10112x128xf32, #tpu.memory_space<vmem_shared>> -> memref<10112x128xf32, #tpu.memory_space<vmem_shared>>
        tpu.wait_indirect_dma semaphore(%run_scoped3A : memref<!tpu.dma_semaphore, #tpu.memory_space<semaphore_mem>>) src(%arg10 : memref<128x128xf32, #tpu.memory_space<vmem>>) dst(%dma_wait3A_154 : memref<10112x128xf32, #tpu.memory_space<vmem_shared>>)
        tpu.yield
      }) : () -> ()
    }
    %mul3A_67 = arith.constant 1 : i32
    %mul3A_68 = arith.muli %mul3A_67, %select_n3A_28 : i32
    %add3A_69 = arith.addi %select_n3A_10, %mul3A_68 : i32
    %multiple_of3A_70 = tpu.assume_multiple %add3A_69, 8 : i32
    "tpu.region"() ({
      %run_scoped3A = tpu.sem_alloc : memref<!tpu.dma_semaphore, #tpu.memory_space<semaphore_mem>>
      %dma_start3A = arith.constant 0 : i32
      %dma_start3A_115 = tpu.memref_slice %arg2[%multiple_of3A_70, %dma_start3A] : memref<2624x128xi32, #tpu.memory_space<hbm>> -> memref<64x128xi32, #tpu.memory_space<hbm>>
      %dma_start3A_116 = arith.constant 0 : i32
      %dma_start3A_117 = tpu.memref_slice %arg2[%multiple_of3A_70, %dma_start3A_116] : memref<2624x128xi32, #tpu.memory_space<hbm>> -> memref<64x128xi32, #tpu.memory_space<hbm>>
      tpu.enqueue_dma source(%dma_start3A_117 : memref<64x128xi32, #tpu.memory_space<hbm>>) target(%arg7 : memref<64x128xi32, #tpu.memory_space<vmem>>) target_semaphore(%run_scoped3A : memref<!tpu.dma_semaphore, #tpu.memory_space<semaphore_mem>>)
      %dma_wait3A = arith.constant 0 : i32
      %dma_wait3A_118 = tpu.memref_slice %arg2[%multiple_of3A_70, %dma_wait3A] : memref<2624x128xi32, #tpu.memory_space<hbm>> -> memref<64x128xi32, #tpu.memory_space<hbm>>
      %dma_wait3A_119 = arith.constant 0 : i32
      %dma_wait3A_120 = tpu.memref_slice %arg2[%multiple_of3A_70, %dma_wait3A_119] : memref<2624x128xi32, #tpu.memory_space<hbm>> -> memref<64x128xi32, #tpu.memory_space<hbm>>
      tpu.wait_dma2 semaphore(%run_scoped3A : memref<!tpu.dma_semaphore, #tpu.memory_space<semaphore_mem>>) src(%dma_wait3A_120 : memref<64x128xi32, #tpu.memory_space<hbm>>) dst(%arg7 : memref<64x128xi32, #tpu.memory_space<vmem>>)
      tpu.yield
    }) : () -> ()
    "tpu.region"() ({
      %run_scoped3A = tpu.sem_alloc : memref<!tpu.dma_semaphore, #tpu.memory_space<semaphore_mem>>
      %dma_start3A = arith.constant 0 : i32
      %dma_start3A_115 = tpu.memref_slice %arg3[%multiple_of3A_70, %dma_start3A] : memref<2624x128xi32, #tpu.memory_space<hbm>> -> memref<64x128xi32, #tpu.memory_space<hbm>>
      %dma_start3A_116 = arith.constant 0 : i32
      %dma_start3A_117 = tpu.memref_slice %arg3[%multiple_of3A_70, %dma_start3A_116] : memref<2624x128xi32, #tpu.memory_space<hbm>> -> memref<64x128xi32, #tpu.memory_space<hbm>>
      tpu.enqueue_dma source(%dma_start3A_117 : memref<64x128xi32, #tpu.memory_space<hbm>>) target(%arg8 : memref<64x128xi32, #tpu.memory_space<vmem>>) target_semaphore(%run_scoped3A : memref<!tpu.dma_semaphore, #tpu.memory_space<semaphore_mem>>)
      %dma_wait3A = arith.constant 0 : i32
      %dma_wait3A_118 = tpu.memref_slice %arg3[%multiple_of3A_70, %dma_wait3A] : memref<2624x128xi32, #tpu.memory_space<hbm>> -> memref<64x128xi32, #tpu.memory_space<hbm>>
      %dma_wait3A_119 = arith.constant 0 : i32
      %dma_wait3A_120 = tpu.memref_slice %arg3[%multiple_of3A_70, %dma_wait3A_119] : memref<2624x128xi32, #tpu.memory_space<hbm>> -> memref<64x128xi32, #tpu.memory_space<hbm>>
      tpu.wait_dma2 semaphore(%run_scoped3A : memref<!tpu.dma_semaphore, #tpu.memory_space<semaphore_mem>>) src(%dma_wait3A_120 : memref<64x128xi32, #tpu.memory_space<hbm>>) dst(%arg8 : memref<64x128xi32, #tpu.memory_space<vmem>>)
      tpu.yield
    }) : () -> ()
    %gt3A_71 = arith.constant 0 : i32
    %gt3A_72 = arith.cmpi sgt, %select_n3A_28, %gt3A_71 : i32
    %convert_element_type3A_73 = arith.extui %gt3A_72 : i1 to i32
    %cond3A_74 = arith.constant 0 : i32
    %cond3A_75 = arith.cmpi ne, %convert_element_type3A_73, %cond3A_74 : i32
    scf.if %cond3A_75 {
      %dma_start3A = arith.constant 0 : i32
      %dma_start3A_115 = arith.constant 0 : i32
      %dma_start3A_116 = tpu.memref_slice %arg7[%dma_start3A, %dma_start3A_115] : memref<64x128xi32, #tpu.memory_space<vmem>> -> memref<1x128xi32, #tpu.memory_space<vmem>>
      %dma_start3A_117 = tpu.memref_squeeze %dma_start3A_116 : memref<1x128xi32, #tpu.memory_space<vmem>> -> memref<128xi32, #tpu.memory_space<vmem>>
      %dma_start3A_118 = arith.constant 0 : i32
      %dma_start3A_119 = arith.constant 0 : i32
      %dma_start3A_120 = tpu.memref_slice %arg4[%dma_start3A_118, %dma_start3A_119] : memref<10000x128xf32, #tpu.memory_space<hbm>> -> memref<10000x128xf32, #tpu.memory_space<hbm>>
      tpu.enqueue_indirect_dma source(%dma_start3A_120 : memref<10000x128xf32, #tpu.memory_space<hbm>>) target(%arg9 : memref<128x128xf32, #tpu.memory_space<vmem>>) offsets(%dma_start3A_117 : memref<128xi32, #tpu.memory_space<vmem>>) semaphore(%arg12 : memref<!tpu.dma_semaphore, #tpu.memory_space<semaphore_mem>>)
    } else {
    }
    %jit3A_76 = arith.constant 2 : i32
    %div3A_77 = arith.divsi %select_n3A_28, %jit3A_76 : i32
    %sign3A_78 = arith.constant 0 : i32
    %sign3A_79 = arith.cmpi sgt, %select_n3A_28, %sign3A_78 : i32
    %sign3A_80 = arith.extui %sign3A_79 : i1 to i32
    %sign3A_81 = arith.constant 0 : i32
    %sign3A_82 = arith.cmpi slt, %select_n3A_28, %sign3A_81 : i32
    %sign3A_83 = arith.extui %sign3A_82 : i1 to i32
    %sign3A_84 = arith.subi %sign3A_80, %sign3A_83 : i32
    %sign3A_85 = arith.constant 0 : i32
    %sign3A_86 = arith.cmpi sgt, %jit3A_76, %sign3A_85 : i32
    %sign3A_87 = arith.extui %sign3A_86 : i1 to i32
    %sign3A_88 = arith.constant 0 : i32
    %sign3A_89 = arith.cmpi slt, %jit3A_76, %sign3A_88 : i32
    %sign3A_90 = arith.extui %sign3A_89 : i1 to i32
    %sign3A_91 = arith.subi %sign3A_87, %sign3A_90 : i32
    %ne3A_92 = arith.cmpi ne, %sign3A_84, %sign3A_91 : i32
    %rem3A_93 = arith.remsi %select_n3A_28, %jit3A_76 : i32
    %ne3A_94 = arith.constant 0 : i32
    %ne3A_95 = arith.cmpi ne, %rem3A_93, %ne3A_94 : i32
    %and3A_96 = arith.andi %ne3A_92, %ne3A_95 : i1
    %sub3A_97 = arith.constant 1 : i32
    %sub3A_98 = arith.subi %div3A_77, %sub3A_97 : i32
    %select_n3A_99 = arith.select %and3A_96, %sub3A_98, %div3A_77 : i32
    %while3A_100 = arith.constant 0 : i32
    %while3A_101 = arith.constant 0 : i32
    %while3A_102 = arith.subi %select_n3A_99, %while3A_101 : i32
    %while3A_103 = arith.addi %while3A_101, %while3A_102 : i32
    %while3A_104 = arith.constant 1 : i32
    %while3A_105 = arith.divsi %while3A_102, %while3A_104 : i32
    %while3A_106 = arith.muli %while3A_105, %while3A_104 : i32
    %while3A_107 = arith.addi %while3A_101, %while3A_106 : i32
    %while3A_108 = arith.constant 1 : i32
    scf.for %while3A_115 = %while3A_101 to %while3A_107 step %while3A_108  : i32 {
      %mul3A_116 = arith.constant 2 : i32
      %mul3A_117 = arith.muli %mul3A_116, %while3A_115 : i32
      %mul3A_118 = arith.constant 2 : i32
      %mul3A_119 = arith.muli %mul3A_118, %while3A_115 : i32
      %add3A_120 = arith.constant 1 : i32
      %add3A_121 = arith.addi %mul3A_119, %add3A_120 : i32
      %dma_wait3A = arith.constant 0 : i32
      %dma_wait3A_122 = tpu.memref_slice %arg7[%mul3A_117, %dma_wait3A] : memref<64x128xi32, #tpu.memory_space<vmem>> -> memref<1x128xi32, #tpu.memory_space<vmem>>
      %dma_wait3A_123 = tpu.memref_squeeze %dma_wait3A_122 : memref<1x128xi32, #tpu.memory_space<vmem>> -> memref<128xi32, #tpu.memory_space<vmem>>
      %dma_wait3A_124 = arith.constant 0 : i32
      %dma_wait3A_125 = arith.constant 0 : i32
      %dma_wait3A_126 = tpu.memref_slice %arg4[%dma_wait3A_124, %dma_wait3A_125] : memref<10000x128xf32, #tpu.memory_space<hbm>> -> memref<10000x128xf32, #tpu.memory_space<hbm>>
      tpu.wait_indirect_dma semaphore(%arg12 : memref<!tpu.dma_semaphore, #tpu.memory_space<semaphore_mem>>) src(%dma_wait3A_126 : memref<10000x128xf32, #tpu.memory_space<hbm>>) dst(%arg9 : memref<128x128xf32, #tpu.memory_space<vmem>>)
      %dma_start3A = arith.constant 0 : i32
      %dma_start3A_127 = tpu.memref_slice %arg7[%add3A_121, %dma_start3A] : memref<64x128xi32, #tpu.memory_space<vmem>> -> memref<1x128xi32, #tpu.memory_space<vmem>>
      %dma_start3A_128 = tpu.memref_squeeze %dma_start3A_127 : memref<1x128xi32, #tpu.memory_space<vmem>> -> memref<128xi32, #tpu.memory_space<vmem>>
      %dma_start3A_129 = arith.constant 0 : i32
      %dma_start3A_130 = arith.constant 0 : i32
      %dma_start3A_131 = tpu.memref_slice %arg4[%dma_start3A_129, %dma_start3A_130] : memref<10000x128xf32, #tpu.memory_space<hbm>> -> memref<10000x128xf32, #tpu.memory_space<hbm>>
      tpu.enqueue_indirect_dma source(%dma_start3A_131 : memref<10000x128xf32, #tpu.memory_space<hbm>>) target(%arg10 : memref<128x128xf32, #tpu.memory_space<vmem>>) offsets(%dma_start3A_128 : memref<128xi32, #tpu.memory_space<vmem>>) semaphore(%arg13 : memref<!tpu.dma_semaphore, #tpu.memory_space<semaphore_mem>>)
      "tpu.region"() ({
        %run_scoped3A = tpu.sem_alloc : memref<!tpu.dma_semaphore, #tpu.memory_space<semaphore_mem>>
        %dma_start3A_143 = arith.constant 0 : i32
        %dma_start3A_144 = tpu.memref_slice %arg8[%mul3A_117, %dma_start3A_143] : memref<64x128xi32, #tpu.memory_space<vmem>> -> memref<1x128xi32, #tpu.memory_space<vmem>>
        %dma_start3A_145 = tpu.memref_squeeze %dma_start3A_144 : memref<1x128xi32, #tpu.memory_space<vmem>> -> memref<128xi32, #tpu.memory_space<vmem>>
        %dma_start3A_146 = arith.constant 0 : i32
        %dma_start3A_147 = arith.constant 0 : i32
        %dma_start3A_148 = tpu.memref_slice %arg11[%dma_start3A_146, %dma_start3A_147] : memref<10112x128xf32, #tpu.memory_space<vmem_shared>> -> memref<10112x128xf32, #tpu.memory_space<vmem_shared>>
        tpu.enqueue_indirect_dma source(%arg9 : memref<128x128xf32, #tpu.memory_space<vmem>>) target(%dma_start3A_148 : memref<10112x128xf32, #tpu.memory_space<vmem_shared>>) offsets(%dma_start3A_145 : memref<128xi32, #tpu.memory_space<vmem>>) semaphore(%run_scoped3A : memref<!tpu.dma_semaphore, #tpu.memory_space<semaphore_mem>>) {add = true}
        %dma_wait3A_149 = arith.constant 0 : i32
        %dma_wait3A_150 = tpu.memref_slice %arg8[%mul3A_117, %dma_wait3A_149] : memref<64x128xi32, #tpu.memory_space<vmem>> -> memref<1x128xi32, #tpu.memory_space<vmem>>
        %dma_wait3A_151 = tpu.memref_squeeze %dma_wait3A_150 : memref<1x128xi32, #tpu.memory_space<vmem>> -> memref<128xi32, #tpu.memory_space<vmem>>
        %dma_wait3A_152 = arith.constant 0 : i32
        %dma_wait3A_153 = arith.constant 0 : i32
        %dma_wait3A_154 = tpu.memref_slice %arg11[%dma_wait3A_152, %dma_wait3A_153] : memref<10112x128xf32, #tpu.memory_space<vmem_shared>> -> memref<10112x128xf32, #tpu.memory_space<vmem_shared>>
        tpu.wait_indirect_dma semaphore(%run_scoped3A : memref<!tpu.dma_semaphore, #tpu.memory_space<semaphore_mem>>) src(%arg9 : memref<128x128xf32, #tpu.memory_space<vmem>>) dst(%dma_wait3A_154 : memref<10112x128xf32, #tpu.memory_space<vmem_shared>>)
        tpu.yield
      }) : () -> ()
      %dma_wait3A_132 = arith.constant 0 : i32
      %dma_wait3A_133 = tpu.memref_slice %arg7[%add3A_121, %dma_wait3A_132] : memref<64x128xi32, #tpu.memory_space<vmem>> -> memref<1x128xi32, #tpu.memory_space<vmem>>
      %dma_wait3A_134 = tpu.memref_squeeze %dma_wait3A_133 : memref<1x128xi32, #tpu.memory_space<vmem>> -> memref<128xi32, #tpu.memory_space<vmem>>
      %dma_wait3A_135 = arith.constant 0 : i32
      %dma_wait3A_136 = arith.constant 0 : i32
      %dma_wait3A_137 = tpu.memref_slice %arg4[%dma_wait3A_135, %dma_wait3A_136] : memref<10000x128xf32, #tpu.memory_space<hbm>> -> memref<10000x128xf32, #tpu.memory_space<hbm>>
      tpu.wait_indirect_dma semaphore(%arg13 : memref<!tpu.dma_semaphore, #tpu.memory_space<semaphore_mem>>) src(%dma_wait3A_137 : memref<10000x128xf32, #tpu.memory_space<hbm>>) dst(%arg10 : memref<128x128xf32, #tpu.memory_space<vmem>>)
      %add3A_138 = arith.constant 1 : i32
      %add3A_139 = arith.addi %add3A_121, %add3A_138 : i32
      %lt3A = arith.cmpi slt, %add3A_139, %select_n3A_28 : i32
      %convert_element_type3A_140 = arith.extui %lt3A : i1 to i32
      %cond3A_141 = arith.constant 0 : i32
      %cond3A_142 = arith.cmpi ne, %convert_element_type3A_140, %cond3A_141 : i32
      scf.if %cond3A_142 {
        %add3A_143 = arith.constant 1 : i32
        %add3A_144 = arith.addi %add3A_121, %add3A_143 : i32
        %dma_start3A_145 = arith.constant 0 : i32
        %dma_start3A_146 = tpu.memref_slice %arg7[%add3A_144, %dma_start3A_145] : memref<64x128xi32, #tpu.memory_space<vmem>> -> memref<1x128xi32, #tpu.memory_space<vmem>>
        %dma_start3A_147 = tpu.memref_squeeze %dma_start3A_146 : memref<1x128xi32, #tpu.memory_space<vmem>> -> memref<128xi32, #tpu.memory_space<vmem>>
        %dma_start3A_148 = arith.constant 0 : i32
        %dma_start3A_149 = arith.constant 0 : i32
        %dma_start3A_150 = tpu.memref_slice %arg4[%dma_start3A_148, %dma_start3A_149] : memref<10000x128xf32, #tpu.memory_space<hbm>> -> memref<10000x128xf32, #tpu.memory_space<hbm>>
        tpu.enqueue_indirect_dma source(%dma_start3A_150 : memref<10000x128xf32, #tpu.memory_space<hbm>>) target(%arg9 : memref<128x128xf32, #tpu.memory_space<vmem>>) offsets(%dma_start3A_147 : memref<128xi32, #tpu.memory_space<vmem>>) semaphore(%arg12 : memref<!tpu.dma_semaphore, #tpu.memory_space<semaphore_mem>>)
      } else {
      }
      "tpu.region"() ({
        %run_scoped3A = tpu.sem_alloc : memref<!tpu.dma_semaphore, #tpu.memory_space<semaphore_mem>>
        %dma_start3A_143 = arith.constant 0 : i32
        %dma_start3A_144 = tpu.memref_slice %arg8[%add3A_121, %dma_start3A_143] : memref<64x128xi32, #tpu.memory_space<vmem>> -> memref<1x128xi32, #tpu.memory_space<vmem>>
        %dma_start3A_145 = tpu.memref_squeeze %dma_start3A_144 : memref<1x128xi32, #tpu.memory_space<vmem>> -> memref<128xi32, #tpu.memory_space<vmem>>
        %dma_start3A_146 = arith.constant 0 : i32
        %dma_start3A_147 = arith.constant 0 : i32
        %dma_start3A_148 = tpu.memref_slice %arg11[%dma_start3A_146, %dma_start3A_147] : memref<10112x128xf32, #tpu.memory_space<vmem_shared>> -> memref<10112x128xf32, #tpu.memory_space<vmem_shared>>
        tpu.enqueue_indirect_dma source(%arg10 : memref<128x128xf32, #tpu.memory_space<vmem>>) target(%dma_start3A_148 : memref<10112x128xf32, #tpu.memory_space<vmem_shared>>) offsets(%dma_start3A_145 : memref<128xi32, #tpu.memory_space<vmem>>) semaphore(%run_scoped3A : memref<!tpu.dma_semaphore, #tpu.memory_space<semaphore_mem>>) {add = true}
        %dma_wait3A_149 = arith.constant 0 : i32
        %dma_wait3A_150 = tpu.memref_slice %arg8[%add3A_121, %dma_wait3A_149] : memref<64x128xi32, #tpu.memory_space<vmem>> -> memref<1x128xi32, #tpu.memory_space<vmem>>
        %dma_wait3A_151 = tpu.memref_squeeze %dma_wait3A_150 : memref<1x128xi32, #tpu.memory_space<vmem>> -> memref<128xi32, #tpu.memory_space<vmem>>
        %dma_wait3A_152 = arith.constant 0 : i32
        %dma_wait3A_153 = arith.constant 0 : i32
        %dma_wait3A_154 = tpu.memref_slice %arg11[%dma_wait3A_152, %dma_wait3A_153] : memref<10112x128xf32, #tpu.memory_space<vmem_shared>> -> memref<10112x128xf32, #tpu.memory_space<vmem_shared>>
        tpu.wait_indirect_dma semaphore(%run_scoped3A : memref<!tpu.dma_semaphore, #tpu.memory_space<semaphore_mem>>) src(%arg10 : memref<128x128xf32, #tpu.memory_space<vmem>>) dst(%dma_wait3A_154 : memref<10112x128xf32, #tpu.memory_space<vmem_shared>>)
        tpu.yield
      }) : () -> ()
    }
    %while3A_109 = arith.constant 1 : i32
    scf.for %while3A_115 = %while3A_107 to %while3A_103 step %while3A_109  : i32 {
      %mul3A_116 = arith.constant 2 : i32
      %mul3A_117 = arith.muli %mul3A_116, %while3A_115 : i32
      %mul3A_118 = arith.constant 2 : i32
      %mul3A_119 = arith.muli %mul3A_118, %while3A_115 : i32
      %add3A_120 = arith.constant 1 : i32
      %add3A_121 = arith.addi %mul3A_119, %add3A_120 : i32
      %dma_wait3A = arith.constant 0 : i32
      %dma_wait3A_122 = tpu.memref_slice %arg7[%mul3A_117, %dma_wait3A] : memref<64x128xi32, #tpu.memory_space<vmem>> -> memref<1x128xi32, #tpu.memory_space<vmem>>
      %dma_wait3A_123 = tpu.memref_squeeze %dma_wait3A_122 : memref<1x128xi32, #tpu.memory_space<vmem>> -> memref<128xi32, #tpu.memory_space<vmem>>
      %dma_wait3A_124 = arith.constant 0 : i32
      %dma_wait3A_125 = arith.constant 0 : i32
      %dma_wait3A_126 = tpu.memref_slice %arg4[%dma_wait3A_124, %dma_wait3A_125] : memref<10000x128xf32, #tpu.memory_space<hbm>> -> memref<10000x128xf32, #tpu.memory_space<hbm>>
      tpu.wait_indirect_dma semaphore(%arg12 : memref<!tpu.dma_semaphore, #tpu.memory_space<semaphore_mem>>) src(%dma_wait3A_126 : memref<10000x128xf32, #tpu.memory_space<hbm>>) dst(%arg9 : memref<128x128xf32, #tpu.memory_space<vmem>>)
      %dma_start3A = arith.constant 0 : i32
      %dma_start3A_127 = tpu.memref_slice %arg7[%add3A_121, %dma_start3A] : memref<64x128xi32, #tpu.memory_space<vmem>> -> memref<1x128xi32, #tpu.memory_space<vmem>>
      %dma_start3A_128 = tpu.memref_squeeze %dma_start3A_127 : memref<1x128xi32, #tpu.memory_space<vmem>> -> memref<128xi32, #tpu.memory_space<vmem>>
      %dma_start3A_129 = arith.constant 0 : i32
      %dma_start3A_130 = arith.constant 0 : i32
      %dma_start3A_131 = tpu.memref_slice %arg4[%dma_start3A_129, %dma_start3A_130] : memref<10000x128xf32, #tpu.memory_space<hbm>> -> memref<10000x128xf32, #tpu.memory_space<hbm>>
      tpu.enqueue_indirect_dma source(%dma_start3A_131 : memref<10000x128xf32, #tpu.memory_space<hbm>>) target(%arg10 : memref<128x128xf32, #tpu.memory_space<vmem>>) offsets(%dma_start3A_128 : memref<128xi32, #tpu.memory_space<vmem>>) semaphore(%arg13 : memref<!tpu.dma_semaphore, #tpu.memory_space<semaphore_mem>>)
      "tpu.region"() ({
        %run_scoped3A = tpu.sem_alloc : memref<!tpu.dma_semaphore, #tpu.memory_space<semaphore_mem>>
        %dma_start3A_143 = arith.constant 0 : i32
        %dma_start3A_144 = tpu.memref_slice %arg8[%mul3A_117, %dma_start3A_143] : memref<64x128xi32, #tpu.memory_space<vmem>> -> memref<1x128xi32, #tpu.memory_space<vmem>>
        %dma_start3A_145 = tpu.memref_squeeze %dma_start3A_144 : memref<1x128xi32, #tpu.memory_space<vmem>> -> memref<128xi32, #tpu.memory_space<vmem>>
        %dma_start3A_146 = arith.constant 0 : i32
        %dma_start3A_147 = arith.constant 0 : i32
        %dma_start3A_148 = tpu.memref_slice %arg11[%dma_start3A_146, %dma_start3A_147] : memref<10112x128xf32, #tpu.memory_space<vmem_shared>> -> memref<10112x128xf32, #tpu.memory_space<vmem_shared>>
        tpu.enqueue_indirect_dma source(%arg9 : memref<128x128xf32, #tpu.memory_space<vmem>>) target(%dma_start3A_148 : memref<10112x128xf32, #tpu.memory_space<vmem_shared>>) offsets(%dma_start3A_145 : memref<128xi32, #tpu.memory_space<vmem>>) semaphore(%run_scoped3A : memref<!tpu.dma_semaphore, #tpu.memory_space<semaphore_mem>>) {add = true}
        %dma_wait3A_149 = arith.constant 0 : i32
        %dma_wait3A_150 = tpu.memref_slice %arg8[%mul3A_117, %dma_wait3A_149] : memref<64x128xi32, #tpu.memory_space<vmem>> -> memref<1x128xi32, #tpu.memory_space<vmem>>
        %dma_wait3A_151 = tpu.memref_squeeze %dma_wait3A_150 : memref<1x128xi32, #tpu.memory_space<vmem>> -> memref<128xi32, #tpu.memory_space<vmem>>
        %dma_wait3A_152 = arith.constant 0 : i32
        %dma_wait3A_153 = arith.constant 0 : i32
        %dma_wait3A_154 = tpu.memref_slice %arg11[%dma_wait3A_152, %dma_wait3A_153] : memref<10112x128xf32, #tpu.memory_space<vmem_shared>> -> memref<10112x128xf32, #tpu.memory_space<vmem_shared>>
        tpu.wait_indirect_dma semaphore(%run_scoped3A : memref<!tpu.dma_semaphore, #tpu.memory_space<semaphore_mem>>) src(%arg9 : memref<128x128xf32, #tpu.memory_space<vmem>>) dst(%dma_wait3A_154 : memref<10112x128xf32, #tpu.memory_space<vmem_shared>>)
        tpu.yield
      }) : () -> ()
      %dma_wait3A_132 = arith.constant 0 : i32
      %dma_wait3A_133 = tpu.memref_slice %arg7[%add3A_121, %dma_wait3A_132] : memref<64x128xi32, #tpu.memory_space<vmem>> -> memref<1x128xi32, #tpu.memory_space<vmem>>
      %dma_wait3A_134 = tpu.memref_squeeze %dma_wait3A_133 : memref<1x128xi32, #tpu.memory_space<vmem>> -> memref<128xi32, #tpu.memory_space<vmem>>
      %dma_wait3A_135 = arith.constant 0 : i32
      %dma_wait3A_136 = arith.constant 0 : i32
      %dma_wait3A_137 = tpu.memref_slice %arg4[%dma_wait3A_135, %dma_wait3A_136] : memref<10000x128xf32, #tpu.memory_space<hbm>> -> memref<10000x128xf32, #tpu.memory_space<hbm>>
      tpu.wait_indirect_dma semaphore(%arg13 : memref<!tpu.dma_semaphore, #tpu.memory_space<semaphore_mem>>) src(%dma_wait3A_137 : memref<10000x128xf32, #tpu.memory_space<hbm>>) dst(%arg10 : memref<128x128xf32, #tpu.memory_space<vmem>>)
      %add3A_138 = arith.constant 1 : i32
      %add3A_139 = arith.addi %add3A_121, %add3A_138 : i32
      %lt3A = arith.cmpi slt, %add3A_139, %select_n3A_28 : i32
      %convert_element_type3A_140 = arith.extui %lt3A : i1 to i32
      %cond3A_141 = arith.constant 0 : i32
      %cond3A_142 = arith.cmpi ne, %convert_element_type3A_140, %cond3A_141 : i32
      scf.if %cond3A_142 {
        %add3A_143 = arith.constant 1 : i32
        %add3A_144 = arith.addi %add3A_121, %add3A_143 : i32
        %dma_start3A_145 = arith.constant 0 : i32
        %dma_start3A_146 = tpu.memref_slice %arg7[%add3A_144, %dma_start3A_145] : memref<64x128xi32, #tpu.memory_space<vmem>> -> memref<1x128xi32, #tpu.memory_space<vmem>>
        %dma_start3A_147 = tpu.memref_squeeze %dma_start3A_146 : memref<1x128xi32, #tpu.memory_space<vmem>> -> memref<128xi32, #tpu.memory_space<vmem>>
        %dma_start3A_148 = arith.constant 0 : i32
        %dma_start3A_149 = arith.constant 0 : i32
        %dma_start3A_150 = tpu.memref_slice %arg4[%dma_start3A_148, %dma_start3A_149] : memref<10000x128xf32, #tpu.memory_space<hbm>> -> memref<10000x128xf32, #tpu.memory_space<hbm>>
        tpu.enqueue_indirect_dma source(%dma_start3A_150 : memref<10000x128xf32, #tpu.memory_space<hbm>>) target(%arg9 : memref<128x128xf32, #tpu.memory_space<vmem>>) offsets(%dma_start3A_147 : memref<128xi32, #tpu.memory_space<vmem>>) semaphore(%arg12 : memref<!tpu.dma_semaphore, #tpu.memory_space<semaphore_mem>>)
      } else {
      }
      "tpu.region"() ({
        %run_scoped3A = tpu.sem_alloc : memref<!tpu.dma_semaphore, #tpu.memory_space<semaphore_mem>>
        %dma_start3A_143 = arith.constant 0 : i32
        %dma_start3A_144 = tpu.memref_slice %arg8[%add3A_121, %dma_start3A_143] : memref<64x128xi32, #tpu.memory_space<vmem>> -> memref<1x128xi32, #tpu.memory_space<vmem>>
        %dma_start3A_145 = tpu.memref_squeeze %dma_start3A_144 : memref<1x128xi32, #tpu.memory_space<vmem>> -> memref<128xi32, #tpu.memory_space<vmem>>
        %dma_start3A_146 = arith.constant 0 : i32
        %dma_start3A_147 = arith.constant 0 : i32
        %dma_start3A_148 = tpu.memref_slice %arg11[%dma_start3A_146, %dma_start3A_147] : memref<10112x128xf32, #tpu.memory_space<vmem_shared>> -> memref<10112x128xf32, #tpu.memory_space<vmem_shared>>
        tpu.enqueue_indirect_dma source(%arg10 : memref<128x128xf32, #tpu.memory_space<vmem>>) target(%dma_start3A_148 : memref<10112x128xf32, #tpu.memory_space<vmem_shared>>) offsets(%dma_start3A_145 : memref<128xi32, #tpu.memory_space<vmem>>) semaphore(%run_scoped3A : memref<!tpu.dma_semaphore, #tpu.memory_space<semaphore_mem>>) {add = true}
        %dma_wait3A_149 = arith.constant 0 : i32
        %dma_wait3A_150 = tpu.memref_slice %arg8[%add3A_121, %dma_wait3A_149] : memref<64x128xi32, #tpu.memory_space<vmem>> -> memref<1x128xi32, #tpu.memory_space<vmem>>
        %dma_wait3A_151 = tpu.memref_squeeze %dma_wait3A_150 : memref<1x128xi32, #tpu.memory_space<vmem>> -> memref<128xi32, #tpu.memory_space<vmem>>
        %dma_wait3A_152 = arith.constant 0 : i32
        %dma_wait3A_153 = arith.constant 0 : i32
        %dma_wait3A_154 = tpu.memref_slice %arg11[%dma_wait3A_152, %dma_wait3A_153] : memref<10112x128xf32, #tpu.memory_space<vmem_shared>> -> memref<10112x128xf32, #tpu.memory_space<vmem_shared>>
        tpu.wait_indirect_dma semaphore(%run_scoped3A : memref<!tpu.dma_semaphore, #tpu.memory_space<semaphore_mem>>) src(%arg10 : memref<128x128xf32, #tpu.memory_space<vmem>>) dst(%dma_wait3A_154 : memref<10112x128xf32, #tpu.memory_space<vmem_shared>>)
        tpu.yield
      }) : () -> ()
    }
    %barrier3A_110 = arith.constant 0 : index
    tpu.barrier barrier_id(%barrier3A_110)
    %mul3A_111 = arith.constant 632 : i32
    %mul3A_112 = arith.muli %arg1, %mul3A_111 : i32
    %mul3A_113 = arith.constant 632 : i32
    %mul3A_114 = arith.muli %arg1, %mul3A_113 : i32
    "tpu.region"() ({
      %run_scoped3A = tpu.sem_alloc : memref<!tpu.dma_semaphore, #tpu.memory_space<semaphore_mem>>
      %dma_start3A = arith.constant 0 : i32
      %dma_start3A_115 = tpu.memref_slice %arg6[%arg0, %mul3A_114, %dma_start3A] : memref<2x10112x128xf32, #tpu.memory_space<hbm>> -> memref<1x632x128xf32, #tpu.memory_space<hbm>>
      %dma_start3A_116 = tpu.memref_squeeze %dma_start3A_115 : memref<1x632x128xf32, #tpu.memory_space<hbm>> -> memref<632x128xf32, #tpu.memory_space<hbm>>
      %dma_start3A_117 = arith.constant 0 : i32
      %dma_start3A_118 = tpu.memref_slice %arg11[%mul3A_112, %dma_start3A_117] : memref<10112x128xf32, #tpu.memory_space<vmem_shared>> -> memref<632x128xf32, #tpu.memory_space<vmem_shared>>
      tpu.enqueue_dma source(%dma_start3A_118 : memref<632x128xf32, #tpu.memory_space<vmem_shared>>) target(%dma_start3A_116 : memref<632x128xf32, #tpu.memory_space<hbm>>) target_semaphore(%run_scoped3A : memref<!tpu.dma_semaphore, #tpu.memory_space<semaphore_mem>>)
      %dma_wait3A = arith.constant 0 : i32
      %dma_wait3A_119 = tpu.memref_slice %arg6[%arg0, %mul3A_114, %dma_wait3A] : memref<2x10112x128xf32, #tpu.memory_space<hbm>> -> memref<1x632x128xf32, #tpu.memory_space<hbm>>
      %dma_wait3A_120 = tpu.memref_squeeze %dma_wait3A_119 : memref<1x632x128xf32, #tpu.memory_space<hbm>> -> memref<632x128xf32, #tpu.memory_space<hbm>>
      %dma_wait3A_121 = arith.constant 0 : i32
      %dma_wait3A_122 = tpu.memref_slice %arg11[%mul3A_112, %dma_wait3A_121] : memref<10112x128xf32, #tpu.memory_space<vmem_shared>> -> memref<632x128xf32, #tpu.memory_space<vmem_shared>>
      tpu.wait_dma2 semaphore(%run_scoped3A : memref<!tpu.dma_semaphore, #tpu.memory_space<semaphore_mem>>) src(%dma_wait3A_122 : memref<632x128xf32, #tpu.memory_space<vmem_shared>>) dst(%dma_wait3A_120 : memref<632x128xf32, #tpu.memory_space<hbm>>)
      tpu.yield
    }) : () -> ()
    return
  }
}

#map = affine_map<(d0, d1) -> (0, 0)>
#map1 = affine_map<(d0, d1) -> (0, 0, 0)>
module attributes {stable_mosaic.version = 14 : i64} {
  func.func @_agg_body(%arg0: i32, %arg1: i32, %arg2: memref<2624x128xi32, #tpu.memory_space<hbm>>, %arg3: memref<2624x128xi32, #tpu.memory_space<hbm>>, %arg4: memref<10000x128xf32, #tpu.memory_space<hbm>>, %arg5: memref<632x128xf32, #tpu.memory_space<hbm>>, %arg6: memref<2x10112x128xf32, #tpu.memory_space<hbm>>, %arg7: memref<64x128xi32, #tpu.memory_space<vmem>>, %arg8: memref<64x128xi32, #tpu.memory_space<vmem>>, %arg9: memref<128x128xf32, #tpu.memory_space<vmem>>, %arg10: memref<128x128xf32, #tpu.memory_space<vmem>>, %arg11: memref<10112x128xf32, #tpu.memory_space<vmem_shared>>, %arg12: memref<!tpu.dma_semaphore, #tpu.memory_space<semaphore_mem>>, %arg13: memref<!tpu.dma_semaphore, #tpu.memory_space<semaphore_mem>>) attributes {dimension_semantics = [#tpu.dimension_semantics<core_parallel>, #tpu.dimension_semantics<subcore_parallel>], iteration_bounds = array<i64: 2, 16>, scalar_prefetch = 0 : i64, scratch_operands = 7 : i64, tpu.core_type = #tpu.core_type<sc_vector_subcore>, window_params = [{transform_indices = #map}, {transform_indices = #map}, {transform_indices = #map}, {transform_indices = #map}, {transform_indices = #map1}]} {
    %mul3A = arith.constant 632 : i32
    %mul3A_0 = arith.muli %arg1, %mul3A : i32
    "tpu.region"() ({
      %run_scoped3A = tpu.sem_alloc : memref<!tpu.dma_semaphore, #tpu.memory_space<semaphore_mem>>
      %dma_start3A = arith.constant 0 : i32
      %dma_start3A_115 = tpu.memref_slice %arg11[%mul3A_0, %dma_start3A] : memref<10112x128xf32, #tpu.memory_space<vmem_shared>> -> memref<632x128xf32, #tpu.memory_space<vmem_shared>>
      tpu.enqueue_dma source(%arg5 : memref<632x128xf32, #tpu.memory_space<hbm>>) target(%dma_start3A_115 : memref<632x128xf32, #tpu.memory_space<vmem_shared>>) target_semaphore(%run_scoped3A : memref<!tpu.dma_semaphore, #tpu.memory_space<semaphore_mem>>)
      %dma_wait3A = arith.constant 0 : i32
      %dma_wait3A_116 = tpu.memref_slice %arg11[%mul3A_0, %dma_wait3A] : memref<10112x128xf32, #tpu.memory_space<vmem_shared>> -> memref<632x128xf32, #tpu.memory_space<vmem_shared>>
      tpu.wait_dma2 semaphore(%run_scoped3A : memref<!tpu.dma_semaphore, #tpu.memory_space<semaphore_mem>>) src(%arg5 : memref<632x128xf32, #tpu.memory_space<hbm>>) dst(%dma_wait3A_116 : memref<632x128xf32, #tpu.memory_space<vmem_shared>>)
      tpu.yield
    }) : () -> ()
    %barrier3A = arith.constant 0 : index
    tpu.barrier barrier_id(%barrier3A)
    %eq3A = arith.constant 0 : i32
    %eq3A_1 = arith.cmpi eq, %arg0, %eq3A : i32
    %jit3A = arith.constant 128 : i32
    %jit3A_2 = arith.constant 32 : i32
    %select_n3A = arith.select %eq3A_1, %jit3A, %jit3A_2 : i32
    %eq3A_3 = arith.constant 0 : i32
    %eq3A_4 = arith.cmpi eq, %arg0, %eq3A_3 : i32
    %mul3A_5 = arith.constant 128 : i32
    %mul3A_6 = arith.muli %arg1, %mul3A_5 : i32
    %mul3A_7 = arith.constant 32 : i32
    %mul3A_8 = arith.muli %arg1, %mul3A_7 : i32
    %add3A = arith.constant 2048 : i32
    %add3A_9 = arith.addi %add3A, %mul3A_8 : i32
    %select_n3A_10 = arith.select %eq3A_4, %mul3A_6, %add3A_9 : i32
    %jit3A_11 = arith.constant 2 : i32
    %div3A = arith.divsi %select_n3A, %jit3A_11 : i32
    %sign3A = arith.constant 0 : i32
    %sign3A_12 = arith.cmpi sgt, %select_n3A, %sign3A : i32
    %sign3A_13 = arith.extui %sign3A_12 : i1 to i32
    %sign3A_14 = arith.constant 0 : i32
    %sign3A_15 = arith.cmpi slt, %select_n3A, %sign3A_14 : i32
    %sign3A_16 = arith.extui %sign3A_15 : i1 to i32
    %sign3A_17 = arith.subi %sign3A_13, %sign3A_16 : i32
    %sign3A_18 = arith.constant 0 : i32
    %sign3A_19 = arith.cmpi sgt, %jit3A_11, %sign3A_18 : i32
    %sign3A_20 = arith.extui %sign3A_19 : i1 to i32
    %sign3A_21 = arith.constant 0 : i32
    %sign3A_22 = arith.cmpi slt, %jit3A_11, %sign3A_21 : i32
    %sign3A_23 = arith.extui %sign3A_22 : i1 to i32
    %sign3A_24 = arith.subi %sign3A_20, %sign3A_23 : i32
    %ne3A = arith.cmpi ne, %sign3A_17, %sign3A_24 : i32
    %rem3A = arith.remsi %select_n3A, %jit3A_11 : i32
    %ne3A_25 = arith.constant 0 : i32
    %ne3A_26 = arith.cmpi ne, %rem3A, %ne3A_25 : i32
    %and3A = arith.andi %ne3A, %ne3A_26 : i1
    %sub3A = arith.constant 1 : i32
    %sub3A_27 = arith.subi %div3A, %sub3A : i32
    %select_n3A_28 = arith.select %and3A, %sub3A_27, %div3A : i32
    %mul3A_29 = arith.constant 0 : i32
    %mul3A_30 = arith.muli %mul3A_29, %select_n3A_28 : i32
    %add3A_31 = arith.addi %select_n3A_10, %mul3A_30 : i32
    %multiple_of3A = tpu.assume_multiple %add3A_31, 8 : i32
    "tpu.region"() ({
      %run_scoped3A = tpu.sem_alloc : memref<!tpu.dma_semaphore, #tpu.memory_space<semaphore_mem>>
      %dma_start3A = arith.constant 0 : i32
      %dma_start3A_115 = tpu.memref_slice %arg2[%multiple_of3A, %dma_start3A] : memref<2624x128xi32, #tpu.memory_space<hbm>> -> memref<64x128xi32, #tpu.memory_space<hbm>>
      %dma_start3A_116 = arith.constant 0 : i32
      %dma_start3A_117 = tpu.memref_slice %arg2[%multiple_of3A, %dma_start3A_116] : memref<2624x128xi32, #tpu.memory_space<hbm>> -> memref<64x128xi32, #tpu.memory_space<hbm>>
      tpu.enqueue_dma source(%dma_start3A_117 : memref<64x128xi32, #tpu.memory_space<hbm>>) target(%arg7 : memref<64x128xi32, #tpu.memory_space<vmem>>) target_semaphore(%run_scoped3A : memref<!tpu.dma_semaphore, #tpu.memory_space<semaphore_mem>>)
      %dma_wait3A = arith.constant 0 : i32
      %dma_wait3A_118 = tpu.memref_slice %arg2[%multiple_of3A, %dma_wait3A] : memref<2624x128xi32, #tpu.memory_space<hbm>> -> memref<64x128xi32, #tpu.memory_space<hbm>>
      %dma_wait3A_119 = arith.constant 0 : i32
      %dma_wait3A_120 = tpu.memref_slice %arg2[%multiple_of3A, %dma_wait3A_119] : memref<2624x128xi32, #tpu.memory_space<hbm>> -> memref<64x128xi32, #tpu.memory_space<hbm>>
      tpu.wait_dma2 semaphore(%run_scoped3A : memref<!tpu.dma_semaphore, #tpu.memory_space<semaphore_mem>>) src(%dma_wait3A_120 : memref<64x128xi32, #tpu.memory_space<hbm>>) dst(%arg7 : memref<64x128xi32, #tpu.memory_space<vmem>>)
      tpu.yield
    }) : () -> ()
    "tpu.region"() ({
      %run_scoped3A = tpu.sem_alloc : memref<!tpu.dma_semaphore, #tpu.memory_space<semaphore_mem>>
      %dma_start3A = arith.constant 0 : i32
      %dma_start3A_115 = tpu.memref_slice %arg3[%multiple_of3A, %dma_start3A] : memref<2624x128xi32, #tpu.memory_space<hbm>> -> memref<64x128xi32, #tpu.memory_space<hbm>>
      %dma_start3A_116 = arith.constant 0 : i32
      %dma_start3A_117 = tpu.memref_slice %arg3[%multiple_of3A, %dma_start3A_116] : memref<2624x128xi32, #tpu.memory_space<hbm>> -> memref<64x128xi32, #tpu.memory_space<hbm>>
      tpu.enqueue_dma source(%dma_start3A_117 : memref<64x128xi32, #tpu.memory_space<hbm>>) target(%arg8 : memref<64x128xi32, #tpu.memory_space<vmem>>) target_semaphore(%run_scoped3A : memref<!tpu.dma_semaphore, #tpu.memory_space<semaphore_mem>>)
      %dma_wait3A = arith.constant 0 : i32
      %dma_wait3A_118 = tpu.memref_slice %arg3[%multiple_of3A, %dma_wait3A] : memref<2624x128xi32, #tpu.memory_space<hbm>> -> memref<64x128xi32, #tpu.memory_space<hbm>>
      %dma_wait3A_119 = arith.constant 0 : i32
      %dma_wait3A_120 = tpu.memref_slice %arg3[%multiple_of3A, %dma_wait3A_119] : memref<2624x128xi32, #tpu.memory_space<hbm>> -> memref<64x128xi32, #tpu.memory_space<hbm>>
      tpu.wait_dma2 semaphore(%run_scoped3A : memref<!tpu.dma_semaphore, #tpu.memory_space<semaphore_mem>>) src(%dma_wait3A_120 : memref<64x128xi32, #tpu.memory_space<hbm>>) dst(%arg8 : memref<64x128xi32, #tpu.memory_space<vmem>>)
      tpu.yield
    }) : () -> ()
    %gt3A = arith.constant 0 : i32
    %gt3A_32 = arith.cmpi sgt, %select_n3A_28, %gt3A : i32
    %convert_element_type3A = arith.extui %gt3A_32 : i1 to i32
    %cond3A = arith.constant 0 : i32
    %cond3A_33 = arith.cmpi ne, %convert_element_type3A, %cond3A : i32
    scf.if %cond3A_33 {
      %dma_start3A = arith.constant 0 : i32
      %dma_start3A_115 = arith.constant 0 : i32
      %dma_start3A_116 = tpu.memref_slice %arg7[%dma_start3A, %dma_start3A_115] : memref<64x128xi32, #tpu.memory_space<vmem>> -> memref<1x128xi32, #tpu.memory_space<vmem>>
      %dma_start3A_117 = tpu.memref_squeeze %dma_start3A_116 : memref<1x128xi32, #tpu.memory_space<vmem>> -> memref<128xi32, #tpu.memory_space<vmem>>
      %dma_start3A_118 = arith.constant 0 : i32
      %dma_start3A_119 = arith.constant 0 : i32
      %dma_start3A_120 = tpu.memref_slice %arg4[%dma_start3A_118, %dma_start3A_119] : memref<10000x128xf32, #tpu.memory_space<hbm>> -> memref<10000x128xf32, #tpu.memory_space<hbm>>
      tpu.enqueue_indirect_dma source(%dma_start3A_120 : memref<10000x128xf32, #tpu.memory_space<hbm>>) target(%arg9 : memref<128x128xf32, #tpu.memory_space<vmem>>) offsets(%dma_start3A_117 : memref<128xi32, #tpu.memory_space<vmem>>) semaphore(%arg12 : memref<!tpu.dma_semaphore, #tpu.memory_space<semaphore_mem>>)
    } else {
    }
    %jit3A_34 = arith.constant 2 : i32
    %div3A_35 = arith.divsi %select_n3A_28, %jit3A_34 : i32
    %sign3A_36 = arith.constant 0 : i32
    %sign3A_37 = arith.cmpi sgt, %select_n3A_28, %sign3A_36 : i32
    %sign3A_38 = arith.extui %sign3A_37 : i1 to i32
    %sign3A_39 = arith.constant 0 : i32
    %sign3A_40 = arith.cmpi slt, %select_n3A_28, %sign3A_39 : i32
    %sign3A_41 = arith.extui %sign3A_40 : i1 to i32
    %sign3A_42 = arith.subi %sign3A_38, %sign3A_41 : i32
    %sign3A_43 = arith.constant 0 : i32
    %sign3A_44 = arith.cmpi sgt, %jit3A_34, %sign3A_43 : i32
    %sign3A_45 = arith.extui %sign3A_44 : i1 to i32
    %sign3A_46 = arith.constant 0 : i32
    %sign3A_47 = arith.cmpi slt, %jit3A_34, %sign3A_46 : i32
    %sign3A_48 = arith.extui %sign3A_47 : i1 to i32
    %sign3A_49 = arith.subi %sign3A_45, %sign3A_48 : i32
    %ne3A_50 = arith.cmpi ne, %sign3A_42, %sign3A_49 : i32
    %rem3A_51 = arith.remsi %select_n3A_28, %jit3A_34 : i32
    %ne3A_52 = arith.constant 0 : i32
    %ne3A_53 = arith.cmpi ne, %rem3A_51, %ne3A_52 : i32
    %and3A_54 = arith.andi %ne3A_50, %ne3A_53 : i1
    %sub3A_55 = arith.constant 1 : i32
    %sub3A_56 = arith.subi %div3A_35, %sub3A_55 : i32
    %select_n3A_57 = arith.select %and3A_54, %sub3A_56, %div3A_35 : i32
    %while3A = arith.constant 0 : i32
    %while3A_58 = arith.constant 0 : i32
    %while3A_59 = arith.subi %select_n3A_57, %while3A_58 : i32
    %while3A_60 = arith.addi %while3A_58, %while3A_59 : i32
    %while3A_61 = arith.constant 1 : i32
    %while3A_62 = arith.divsi %while3A_59, %while3A_61 : i32
    %while3A_63 = arith.muli %while3A_62, %while3A_61 : i32
    %while3A_64 = arith.addi %while3A_58, %while3A_63 : i32
    %while3A_65 = arith.constant 1 : i32
    scf.for %while3A_115 = %while3A_58 to %while3A_64 step %while3A_65  : i32 {
      %mul3A_116 = arith.constant 2 : i32
      %mul3A_117 = arith.muli %mul3A_116, %while3A_115 : i32
      %mul3A_118 = arith.constant 2 : i32
      %mul3A_119 = arith.muli %mul3A_118, %while3A_115 : i32
      %add3A_120 = arith.constant 1 : i32
      %add3A_121 = arith.addi %mul3A_119, %add3A_120 : i32
      %dma_wait3A = arith.constant 0 : i32
      %dma_wait3A_122 = tpu.memref_slice %arg7[%mul3A_117, %dma_wait3A] : memref<64x128xi32, #tpu.memory_space<vmem>> -> memref<1x128xi32, #tpu.memory_space<vmem>>
      %dma_wait3A_123 = tpu.memref_squeeze %dma_wait3A_122 : memref<1x128xi32, #tpu.memory_space<vmem>> -> memref<128xi32, #tpu.memory_space<vmem>>
      %dma_wait3A_124 = arith.constant 0 : i32
      %dma_wait3A_125 = arith.constant 0 : i32
      %dma_wait3A_126 = tpu.memref_slice %arg4[%dma_wait3A_124, %dma_wait3A_125] : memref<10000x128xf32, #tpu.memory_space<hbm>> -> memref<10000x128xf32, #tpu.memory_space<hbm>>
      tpu.wait_indirect_dma semaphore(%arg12 : memref<!tpu.dma_semaphore, #tpu.memory_space<semaphore_mem>>) src(%dma_wait3A_126 : memref<10000x128xf32, #tpu.memory_space<hbm>>) dst(%arg9 : memref<128x128xf32, #tpu.memory_space<vmem>>)
      %dma_start3A = arith.constant 0 : i32
      %dma_start3A_127 = tpu.memref_slice %arg7[%add3A_121, %dma_start3A] : memref<64x128xi32, #tpu.memory_space<vmem>> -> memref<1x128xi32, #tpu.memory_space<vmem>>
      %dma_start3A_128 = tpu.memref_squeeze %dma_start3A_127 : memref<1x128xi32, #tpu.memory_space<vmem>> -> memref<128xi32, #tpu.memory_space<vmem>>
      %dma_start3A_129 = arith.constant 0 : i32
      %dma_start3A_130 = arith.constant 0 : i32
      %dma_start3A_131 = tpu.memref_slice %arg4[%dma_start3A_129, %dma_start3A_130] : memref<10000x128xf32, #tpu.memory_space<hbm>> -> memref<10000x128xf32, #tpu.memory_space<hbm>>
      tpu.enqueue_indirect_dma source(%dma_start3A_131 : memref<10000x128xf32, #tpu.memory_space<hbm>>) target(%arg10 : memref<128x128xf32, #tpu.memory_space<vmem>>) offsets(%dma_start3A_128 : memref<128xi32, #tpu.memory_space<vmem>>) semaphore(%arg13 : memref<!tpu.dma_semaphore, #tpu.memory_space<semaphore_mem>>)
      "tpu.region"() ({
        %run_scoped3A = tpu.sem_alloc : memref<!tpu.dma_semaphore, #tpu.memory_space<semaphore_mem>>
        %dma_start3A_143 = arith.constant 0 : i32
        %dma_start3A_144 = tpu.memref_slice %arg8[%mul3A_117, %dma_start3A_143] : memref<64x128xi32, #tpu.memory_space<vmem>> -> memref<1x128xi32, #tpu.memory_space<vmem>>
        %dma_start3A_145 = tpu.memref_squeeze %dma_start3A_144 : memref<1x128xi32, #tpu.memory_space<vmem>> -> memref<128xi32, #tpu.memory_space<vmem>>
        %dma_start3A_146 = arith.constant 0 : i32
        %dma_start3A_147 = arith.constant 0 : i32
        %dma_start3A_148 = tpu.memref_slice %arg11[%dma_start3A_146, %dma_start3A_147] : memref<10112x128xf32, #tpu.memory_space<vmem_shared>> -> memref<10112x128xf32, #tpu.memory_space<vmem_shared>>
        tpu.enqueue_indirect_dma source(%arg9 : memref<128x128xf32, #tpu.memory_space<vmem>>) target(%dma_start3A_148 : memref<10112x128xf32, #tpu.memory_space<vmem_shared>>) offsets(%dma_start3A_145 : memref<128xi32, #tpu.memory_space<vmem>>) semaphore(%run_scoped3A : memref<!tpu.dma_semaphore, #tpu.memory_space<semaphore_mem>>) {add = true}
        %dma_wait3A_149 = arith.constant 0 : i32
        %dma_wait3A_150 = tpu.memref_slice %arg8[%mul3A_117, %dma_wait3A_149] : memref<64x128xi32, #tpu.memory_space<vmem>> -> memref<1x128xi32, #tpu.memory_space<vmem>>
        %dma_wait3A_151 = tpu.memref_squeeze %dma_wait3A_150 : memref<1x128xi32, #tpu.memory_space<vmem>> -> memref<128xi32, #tpu.memory_space<vmem>>
        %dma_wait3A_152 = arith.constant 0 : i32
        %dma_wait3A_153 = arith.constant 0 : i32
        %dma_wait3A_154 = tpu.memref_slice %arg11[%dma_wait3A_152, %dma_wait3A_153] : memref<10112x128xf32, #tpu.memory_space<vmem_shared>> -> memref<10112x128xf32, #tpu.memory_space<vmem_shared>>
        tpu.wait_indirect_dma semaphore(%run_scoped3A : memref<!tpu.dma_semaphore, #tpu.memory_space<semaphore_mem>>) src(%arg9 : memref<128x128xf32, #tpu.memory_space<vmem>>) dst(%dma_wait3A_154 : memref<10112x128xf32, #tpu.memory_space<vmem_shared>>)
        tpu.yield
      }) : () -> ()
      %dma_wait3A_132 = arith.constant 0 : i32
      %dma_wait3A_133 = tpu.memref_slice %arg7[%add3A_121, %dma_wait3A_132] : memref<64x128xi32, #tpu.memory_space<vmem>> -> memref<1x128xi32, #tpu.memory_space<vmem>>
      %dma_wait3A_134 = tpu.memref_squeeze %dma_wait3A_133 : memref<1x128xi32, #tpu.memory_space<vmem>> -> memref<128xi32, #tpu.memory_space<vmem>>
      %dma_wait3A_135 = arith.constant 0 : i32
      %dma_wait3A_136 = arith.constant 0 : i32
      %dma_wait3A_137 = tpu.memref_slice %arg4[%dma_wait3A_135, %dma_wait3A_136] : memref<10000x128xf32, #tpu.memory_space<hbm>> -> memref<10000x128xf32, #tpu.memory_space<hbm>>
      tpu.wait_indirect_dma semaphore(%arg13 : memref<!tpu.dma_semaphore, #tpu.memory_space<semaphore_mem>>) src(%dma_wait3A_137 : memref<10000x128xf32, #tpu.memory_space<hbm>>) dst(%arg10 : memref<128x128xf32, #tpu.memory_space<vmem>>)
      %add3A_138 = arith.constant 1 : i32
      %add3A_139 = arith.addi %add3A_121, %add3A_138 : i32
      %lt3A = arith.cmpi slt, %add3A_139, %select_n3A_28 : i32
      %convert_element_type3A_140 = arith.extui %lt3A : i1 to i32
      %cond3A_141 = arith.constant 0 : i32
      %cond3A_142 = arith.cmpi ne, %convert_element_type3A_140, %cond3A_141 : i32
      scf.if %cond3A_142 {
        %add3A_143 = arith.constant 1 : i32
        %add3A_144 = arith.addi %add3A_121, %add3A_143 : i32
        %dma_start3A_145 = arith.constant 0 : i32
        %dma_start3A_146 = tpu.memref_slice %arg7[%add3A_144, %dma_start3A_145] : memref<64x128xi32, #tpu.memory_space<vmem>> -> memref<1x128xi32, #tpu.memory_space<vmem>>
        %dma_start3A_147 = tpu.memref_squeeze %dma_start3A_146 : memref<1x128xi32, #tpu.memory_space<vmem>> -> memref<128xi32, #tpu.memory_space<vmem>>
        %dma_start3A_148 = arith.constant 0 : i32
        %dma_start3A_149 = arith.constant 0 : i32
        %dma_start3A_150 = tpu.memref_slice %arg4[%dma_start3A_148, %dma_start3A_149] : memref<10000x128xf32, #tpu.memory_space<hbm>> -> memref<10000x128xf32, #tpu.memory_space<hbm>>
        tpu.enqueue_indirect_dma source(%dma_start3A_150 : memref<10000x128xf32, #tpu.memory_space<hbm>>) target(%arg9 : memref<128x128xf32, #tpu.memory_space<vmem>>) offsets(%dma_start3A_147 : memref<128xi32, #tpu.memory_space<vmem>>) semaphore(%arg12 : memref<!tpu.dma_semaphore, #tpu.memory_space<semaphore_mem>>)
      } else {
      }
      "tpu.region"() ({
        %run_scoped3A = tpu.sem_alloc : memref<!tpu.dma_semaphore, #tpu.memory_space<semaphore_mem>>
        %dma_start3A_143 = arith.constant 0 : i32
        %dma_start3A_144 = tpu.memref_slice %arg8[%add3A_121, %dma_start3A_143] : memref<64x128xi32, #tpu.memory_space<vmem>> -> memref<1x128xi32, #tpu.memory_space<vmem>>
        %dma_start3A_145 = tpu.memref_squeeze %dma_start3A_144 : memref<1x128xi32, #tpu.memory_space<vmem>> -> memref<128xi32, #tpu.memory_space<vmem>>
        %dma_start3A_146 = arith.constant 0 : i32
        %dma_start3A_147 = arith.constant 0 : i32
        %dma_start3A_148 = tpu.memref_slice %arg11[%dma_start3A_146, %dma_start3A_147] : memref<10112x128xf32, #tpu.memory_space<vmem_shared>> -> memref<10112x128xf32, #tpu.memory_space<vmem_shared>>
        tpu.enqueue_indirect_dma source(%arg10 : memref<128x128xf32, #tpu.memory_space<vmem>>) target(%dma_start3A_148 : memref<10112x128xf32, #tpu.memory_space<vmem_shared>>) offsets(%dma_start3A_145 : memref<128xi32, #tpu.memory_space<vmem>>) semaphore(%run_scoped3A : memref<!tpu.dma_semaphore, #tpu.memory_space<semaphore_mem>>) {add = true}
        %dma_wait3A_149 = arith.constant 0 : i32
        %dma_wait3A_150 = tpu.memref_slice %arg8[%add3A_121, %dma_wait3A_149] : memref<64x128xi32, #tpu.memory_space<vmem>> -> memref<1x128xi32, #tpu.memory_space<vmem>>
        %dma_wait3A_151 = tpu.memref_squeeze %dma_wait3A_150 : memref<1x128xi32, #tpu.memory_space<vmem>> -> memref<128xi32, #tpu.memory_space<vmem>>
        %dma_wait3A_152 = arith.constant 0 : i32
        %dma_wait3A_153 = arith.constant 0 : i32
        %dma_wait3A_154 = tpu.memref_slice %arg11[%dma_wait3A_152, %dma_wait3A_153] : memref<10112x128xf32, #tpu.memory_space<vmem_shared>> -> memref<10112x128xf32, #tpu.memory_space<vmem_shared>>
        tpu.wait_indirect_dma semaphore(%run_scoped3A : memref<!tpu.dma_semaphore, #tpu.memory_space<semaphore_mem>>) src(%arg10 : memref<128x128xf32, #tpu.memory_space<vmem>>) dst(%dma_wait3A_154 : memref<10112x128xf32, #tpu.memory_space<vmem_shared>>)
        tpu.yield
      }) : () -> ()
    }
    %while3A_66 = arith.constant 1 : i32
    scf.for %while3A_115 = %while3A_64 to %while3A_60 step %while3A_66  : i32 {
      %mul3A_116 = arith.constant 2 : i32
      %mul3A_117 = arith.muli %mul3A_116, %while3A_115 : i32
      %mul3A_118 = arith.constant 2 : i32
      %mul3A_119 = arith.muli %mul3A_118, %while3A_115 : i32
      %add3A_120 = arith.constant 1 : i32
      %add3A_121 = arith.addi %mul3A_119, %add3A_120 : i32
      %dma_wait3A = arith.constant 0 : i32
      %dma_wait3A_122 = tpu.memref_slice %arg7[%mul3A_117, %dma_wait3A] : memref<64x128xi32, #tpu.memory_space<vmem>> -> memref<1x128xi32, #tpu.memory_space<vmem>>
      %dma_wait3A_123 = tpu.memref_squeeze %dma_wait3A_122 : memref<1x128xi32, #tpu.memory_space<vmem>> -> memref<128xi32, #tpu.memory_space<vmem>>
      %dma_wait3A_124 = arith.constant 0 : i32
      %dma_wait3A_125 = arith.constant 0 : i32
      %dma_wait3A_126 = tpu.memref_slice %arg4[%dma_wait3A_124, %dma_wait3A_125] : memref<10000x128xf32, #tpu.memory_space<hbm>> -> memref<10000x128xf32, #tpu.memory_space<hbm>>
      tpu.wait_indirect_dma semaphore(%arg12 : memref<!tpu.dma_semaphore, #tpu.memory_space<semaphore_mem>>) src(%dma_wait3A_126 : memref<10000x128xf32, #tpu.memory_space<hbm>>) dst(%arg9 : memref<128x128xf32, #tpu.memory_space<vmem>>)
      %dma_start3A = arith.constant 0 : i32
      %dma_start3A_127 = tpu.memref_slice %arg7[%add3A_121, %dma_start3A] : memref<64x128xi32, #tpu.memory_space<vmem>> -> memref<1x128xi32, #tpu.memory_space<vmem>>
      %dma_start3A_128 = tpu.memref_squeeze %dma_start3A_127 : memref<1x128xi32, #tpu.memory_space<vmem>> -> memref<128xi32, #tpu.memory_space<vmem>>
      %dma_start3A_129 = arith.constant 0 : i32
      %dma_start3A_130 = arith.constant 0 : i32
      %dma_start3A_131 = tpu.memref_slice %arg4[%dma_start3A_129, %dma_start3A_130] : memref<10000x128xf32, #tpu.memory_space<hbm>> -> memref<10000x128xf32, #tpu.memory_space<hbm>>
      tpu.enqueue_indirect_dma source(%dma_start3A_131 : memref<10000x128xf32, #tpu.memory_space<hbm>>) target(%arg10 : memref<128x128xf32, #tpu.memory_space<vmem>>) offsets(%dma_start3A_128 : memref<128xi32, #tpu.memory_space<vmem>>) semaphore(%arg13 : memref<!tpu.dma_semaphore, #tpu.memory_space<semaphore_mem>>)
      "tpu.region"() ({
        %run_scoped3A = tpu.sem_alloc : memref<!tpu.dma_semaphore, #tpu.memory_space<semaphore_mem>>
        %dma_start3A_143 = arith.constant 0 : i32
        %dma_start3A_144 = tpu.memref_slice %arg8[%mul3A_117, %dma_start3A_143] : memref<64x128xi32, #tpu.memory_space<vmem>> -> memref<1x128xi32, #tpu.memory_space<vmem>>
        %dma_start3A_145 = tpu.memref_squeeze %dma_start3A_144 : memref<1x128xi32, #tpu.memory_space<vmem>> -> memref<128xi32, #tpu.memory_space<vmem>>
        %dma_start3A_146 = arith.constant 0 : i32
        %dma_start3A_147 = arith.constant 0 : i32
        %dma_start3A_148 = tpu.memref_slice %arg11[%dma_start3A_146, %dma_start3A_147] : memref<10112x128xf32, #tpu.memory_space<vmem_shared>> -> memref<10112x128xf32, #tpu.memory_space<vmem_shared>>
        tpu.enqueue_indirect_dma source(%arg9 : memref<128x128xf32, #tpu.memory_space<vmem>>) target(%dma_start3A_148 : memref<10112x128xf32, #tpu.memory_space<vmem_shared>>) offsets(%dma_start3A_145 : memref<128xi32, #tpu.memory_space<vmem>>) semaphore(%run_scoped3A : memref<!tpu.dma_semaphore, #tpu.memory_space<semaphore_mem>>) {add = true}
        %dma_wait3A_149 = arith.constant 0 : i32
        %dma_wait3A_150 = tpu.memref_slice %arg8[%mul3A_117, %dma_wait3A_149] : memref<64x128xi32, #tpu.memory_space<vmem>> -> memref<1x128xi32, #tpu.memory_space<vmem>>
        %dma_wait3A_151 = tpu.memref_squeeze %dma_wait3A_150 : memref<1x128xi32, #tpu.memory_space<vmem>> -> memref<128xi32, #tpu.memory_space<vmem>>
        %dma_wait3A_152 = arith.constant 0 : i32
        %dma_wait3A_153 = arith.constant 0 : i32
        %dma_wait3A_154 = tpu.memref_slice %arg11[%dma_wait3A_152, %dma_wait3A_153] : memref<10112x128xf32, #tpu.memory_space<vmem_shared>> -> memref<10112x128xf32, #tpu.memory_space<vmem_shared>>
        tpu.wait_indirect_dma semaphore(%run_scoped3A : memref<!tpu.dma_semaphore, #tpu.memory_space<semaphore_mem>>) src(%arg9 : memref<128x128xf32, #tpu.memory_space<vmem>>) dst(%dma_wait3A_154 : memref<10112x128xf32, #tpu.memory_space<vmem_shared>>)
        tpu.yield
      }) : () -> ()
      %dma_wait3A_132 = arith.constant 0 : i32
      %dma_wait3A_133 = tpu.memref_slice %arg7[%add3A_121, %dma_wait3A_132] : memref<64x128xi32, #tpu.memory_space<vmem>> -> memref<1x128xi32, #tpu.memory_space<vmem>>
      %dma_wait3A_134 = tpu.memref_squeeze %dma_wait3A_133 : memref<1x128xi32, #tpu.memory_space<vmem>> -> memref<128xi32, #tpu.memory_space<vmem>>
      %dma_wait3A_135 = arith.constant 0 : i32
      %dma_wait3A_136 = arith.constant 0 : i32
      %dma_wait3A_137 = tpu.memref_slice %arg4[%dma_wait3A_135, %dma_wait3A_136] : memref<10000x128xf32, #tpu.memory_space<hbm>> -> memref<10000x128xf32, #tpu.memory_space<hbm>>
      tpu.wait_indirect_dma semaphore(%arg13 : memref<!tpu.dma_semaphore, #tpu.memory_space<semaphore_mem>>) src(%dma_wait3A_137 : memref<10000x128xf32, #tpu.memory_space<hbm>>) dst(%arg10 : memref<128x128xf32, #tpu.memory_space<vmem>>)
      %add3A_138 = arith.constant 1 : i32
      %add3A_139 = arith.addi %add3A_121, %add3A_138 : i32
      %lt3A = arith.cmpi slt, %add3A_139, %select_n3A_28 : i32
      %convert_element_type3A_140 = arith.extui %lt3A : i1 to i32
      %cond3A_141 = arith.constant 0 : i32
      %cond3A_142 = arith.cmpi ne, %convert_element_type3A_140, %cond3A_141 : i32
      scf.if %cond3A_142 {
        %add3A_143 = arith.constant 1 : i32
        %add3A_144 = arith.addi %add3A_121, %add3A_143 : i32
        %dma_start3A_145 = arith.constant 0 : i32
        %dma_start3A_146 = tpu.memref_slice %arg7[%add3A_144, %dma_start3A_145] : memref<64x128xi32, #tpu.memory_space<vmem>> -> memref<1x128xi32, #tpu.memory_space<vmem>>
        %dma_start3A_147 = tpu.memref_squeeze %dma_start3A_146 : memref<1x128xi32, #tpu.memory_space<vmem>> -> memref<128xi32, #tpu.memory_space<vmem>>
        %dma_start3A_148 = arith.constant 0 : i32
        %dma_start3A_149 = arith.constant 0 : i32
        %dma_start3A_150 = tpu.memref_slice %arg4[%dma_start3A_148, %dma_start3A_149] : memref<10000x128xf32, #tpu.memory_space<hbm>> -> memref<10000x128xf32, #tpu.memory_space<hbm>>
        tpu.enqueue_indirect_dma source(%dma_start3A_150 : memref<10000x128xf32, #tpu.memory_space<hbm>>) target(%arg9 : memref<128x128xf32, #tpu.memory_space<vmem>>) offsets(%dma_start3A_147 : memref<128xi32, #tpu.memory_space<vmem>>) semaphore(%arg12 : memref<!tpu.dma_semaphore, #tpu.memory_space<semaphore_mem>>)
      } else {
      }
      "tpu.region"() ({
        %run_scoped3A = tpu.sem_alloc : memref<!tpu.dma_semaphore, #tpu.memory_space<semaphore_mem>>
        %dma_start3A_143 = arith.constant 0 : i32
        %dma_start3A_144 = tpu.memref_slice %arg8[%add3A_121, %dma_start3A_143] : memref<64x128xi32, #tpu.memory_space<vmem>> -> memref<1x128xi32, #tpu.memory_space<vmem>>
        %dma_start3A_145 = tpu.memref_squeeze %dma_start3A_144 : memref<1x128xi32, #tpu.memory_space<vmem>> -> memref<128xi32, #tpu.memory_space<vmem>>
        %dma_start3A_146 = arith.constant 0 : i32
        %dma_start3A_147 = arith.constant 0 : i32
        %dma_start3A_148 = tpu.memref_slice %arg11[%dma_start3A_146, %dma_start3A_147] : memref<10112x128xf32, #tpu.memory_space<vmem_shared>> -> memref<10112x128xf32, #tpu.memory_space<vmem_shared>>
        tpu.enqueue_indirect_dma source(%arg10 : memref<128x128xf32, #tpu.memory_space<vmem>>) target(%dma_start3A_148 : memref<10112x128xf32, #tpu.memory_space<vmem_shared>>) offsets(%dma_start3A_145 : memref<128xi32, #tpu.memory_space<vmem>>) semaphore(%run_scoped3A : memref<!tpu.dma_semaphore, #tpu.memory_space<semaphore_mem>>) {add = true}
        %dma_wait3A_149 = arith.constant 0 : i32
        %dma_wait3A_150 = tpu.memref_slice %arg8[%add3A_121, %dma_wait3A_149] : memref<64x128xi32, #tpu.memory_space<vmem>> -> memref<1x128xi32, #tpu.memory_space<vmem>>
        %dma_wait3A_151 = tpu.memref_squeeze %dma_wait3A_150 : memref<1x128xi32, #tpu.memory_space<vmem>> -> memref<128xi32, #tpu.memory_space<vmem>>
        %dma_wait3A_152 = arith.constant 0 : i32
        %dma_wait3A_153 = arith.constant 0 : i32
        %dma_wait3A_154 = tpu.memref_slice %arg11[%dma_wait3A_152, %dma_wait3A_153] : memref<10112x128xf32, #tpu.memory_space<vmem_shared>> -> memref<10112x128xf32, #tpu.memory_space<vmem_shared>>
        tpu.wait_indirect_dma semaphore(%run_scoped3A : memref<!tpu.dma_semaphore, #tpu.memory_space<semaphore_mem>>) src(%arg10 : memref<128x128xf32, #tpu.memory_space<vmem>>) dst(%dma_wait3A_154 : memref<10112x128xf32, #tpu.memory_space<vmem_shared>>)
        tpu.yield
      }) : () -> ()
    }
    %mul3A_67 = arith.constant 1 : i32
    %mul3A_68 = arith.muli %mul3A_67, %select_n3A_28 : i32
    %add3A_69 = arith.addi %select_n3A_10, %mul3A_68 : i32
    %multiple_of3A_70 = tpu.assume_multiple %add3A_69, 8 : i32
    "tpu.region"() ({
      %run_scoped3A = tpu.sem_alloc : memref<!tpu.dma_semaphore, #tpu.memory_space<semaphore_mem>>
      %dma_start3A = arith.constant 0 : i32
      %dma_start3A_115 = tpu.memref_slice %arg2[%multiple_of3A_70, %dma_start3A] : memref<2624x128xi32, #tpu.memory_space<hbm>> -> memref<64x128xi32, #tpu.memory_space<hbm>>
      %dma_start3A_116 = arith.constant 0 : i32
      %dma_start3A_117 = tpu.memref_slice %arg2[%multiple_of3A_70, %dma_start3A_116] : memref<2624x128xi32, #tpu.memory_space<hbm>> -> memref<64x128xi32, #tpu.memory_space<hbm>>
      tpu.enqueue_dma source(%dma_start3A_117 : memref<64x128xi32, #tpu.memory_space<hbm>>) target(%arg7 : memref<64x128xi32, #tpu.memory_space<vmem>>) target_semaphore(%run_scoped3A : memref<!tpu.dma_semaphore, #tpu.memory_space<semaphore_mem>>)
      %dma_wait3A = arith.constant 0 : i32
      %dma_wait3A_118 = tpu.memref_slice %arg2[%multiple_of3A_70, %dma_wait3A] : memref<2624x128xi32, #tpu.memory_space<hbm>> -> memref<64x128xi32, #tpu.memory_space<hbm>>
      %dma_wait3A_119 = arith.constant 0 : i32
      %dma_wait3A_120 = tpu.memref_slice %arg2[%multiple_of3A_70, %dma_wait3A_119] : memref<2624x128xi32, #tpu.memory_space<hbm>> -> memref<64x128xi32, #tpu.memory_space<hbm>>
      tpu.wait_dma2 semaphore(%run_scoped3A : memref<!tpu.dma_semaphore, #tpu.memory_space<semaphore_mem>>) src(%dma_wait3A_120 : memref<64x128xi32, #tpu.memory_space<hbm>>) dst(%arg7 : memref<64x128xi32, #tpu.memory_space<vmem>>)
      tpu.yield
    }) : () -> ()
    "tpu.region"() ({
      %run_scoped3A = tpu.sem_alloc : memref<!tpu.dma_semaphore, #tpu.memory_space<semaphore_mem>>
      %dma_start3A = arith.constant 0 : i32
      %dma_start3A_115 = tpu.memref_slice %arg3[%multiple_of3A_70, %dma_start3A] : memref<2624x128xi32, #tpu.memory_space<hbm>> -> memref<64x128xi32, #tpu.memory_space<hbm>>
      %dma_start3A_116 = arith.constant 0 : i32
      %dma_start3A_117 = tpu.memref_slice %arg3[%multiple_of3A_70, %dma_start3A_116] : memref<2624x128xi32, #tpu.memory_space<hbm>> -> memref<64x128xi32, #tpu.memory_space<hbm>>
      tpu.enqueue_dma source(%dma_start3A_117 : memref<64x128xi32, #tpu.memory_space<hbm>>) target(%arg8 : memref<64x128xi32, #tpu.memory_space<vmem>>) target_semaphore(%run_scoped3A : memref<!tpu.dma_semaphore, #tpu.memory_space<semaphore_mem>>)
      %dma_wait3A = arith.constant 0 : i32
      %dma_wait3A_118 = tpu.memref_slice %arg3[%multiple_of3A_70, %dma_wait3A] : memref<2624x128xi32, #tpu.memory_space<hbm>> -> memref<64x128xi32, #tpu.memory_space<hbm>>
      %dma_wait3A_119 = arith.constant 0 : i32
      %dma_wait3A_120 = tpu.memref_slice %arg3[%multiple_of3A_70, %dma_wait3A_119] : memref<2624x128xi32, #tpu.memory_space<hbm>> -> memref<64x128xi32, #tpu.memory_space<hbm>>
      tpu.wait_dma2 semaphore(%run_scoped3A : memref<!tpu.dma_semaphore, #tpu.memory_space<semaphore_mem>>) src(%dma_wait3A_120 : memref<64x128xi32, #tpu.memory_space<hbm>>) dst(%arg8 : memref<64x128xi32, #tpu.memory_space<vmem>>)
      tpu.yield
    }) : () -> ()
    %gt3A_71 = arith.constant 0 : i32
    %gt3A_72 = arith.cmpi sgt, %select_n3A_28, %gt3A_71 : i32
    %convert_element_type3A_73 = arith.extui %gt3A_72 : i1 to i32
    %cond3A_74 = arith.constant 0 : i32
    %cond3A_75 = arith.cmpi ne, %convert_element_type3A_73, %cond3A_74 : i32
    scf.if %cond3A_75 {
      %dma_start3A = arith.constant 0 : i32
      %dma_start3A_115 = arith.constant 0 : i32
      %dma_start3A_116 = tpu.memref_slice %arg7[%dma_start3A, %dma_start3A_115] : memref<64x128xi32, #tpu.memory_space<vmem>> -> memref<1x128xi32, #tpu.memory_space<vmem>>
      %dma_start3A_117 = tpu.memref_squeeze %dma_start3A_116 : memref<1x128xi32, #tpu.memory_space<vmem>> -> memref<128xi32, #tpu.memory_space<vmem>>
      %dma_start3A_118 = arith.constant 0 : i32
      %dma_start3A_119 = arith.constant 0 : i32
      %dma_start3A_120 = tpu.memref_slice %arg4[%dma_start3A_118, %dma_start3A_119] : memref<10000x128xf32, #tpu.memory_space<hbm>> -> memref<10000x128xf32, #tpu.memory_space<hbm>>
      tpu.enqueue_indirect_dma source(%dma_start3A_120 : memref<10000x128xf32, #tpu.memory_space<hbm>>) target(%arg9 : memref<128x128xf32, #tpu.memory_space<vmem>>) offsets(%dma_start3A_117 : memref<128xi32, #tpu.memory_space<vmem>>) semaphore(%arg12 : memref<!tpu.dma_semaphore, #tpu.memory_space<semaphore_mem>>)
    } else {
    }
    %jit3A_76 = arith.constant 2 : i32
    %div3A_77 = arith.divsi %select_n3A_28, %jit3A_76 : i32
    %sign3A_78 = arith.constant 0 : i32
    %sign3A_79 = arith.cmpi sgt, %select_n3A_28, %sign3A_78 : i32
    %sign3A_80 = arith.extui %sign3A_79 : i1 to i32
    %sign3A_81 = arith.constant 0 : i32
    %sign3A_82 = arith.cmpi slt, %select_n3A_28, %sign3A_81 : i32
    %sign3A_83 = arith.extui %sign3A_82 : i1 to i32
    %sign3A_84 = arith.subi %sign3A_80, %sign3A_83 : i32
    %sign3A_85 = arith.constant 0 : i32
    %sign3A_86 = arith.cmpi sgt, %jit3A_76, %sign3A_85 : i32
    %sign3A_87 = arith.extui %sign3A_86 : i1 to i32
    %sign3A_88 = arith.constant 0 : i32
    %sign3A_89 = arith.cmpi slt, %jit3A_76, %sign3A_88 : i32
    %sign3A_90 = arith.extui %sign3A_89 : i1 to i32
    %sign3A_91 = arith.subi %sign3A_87, %sign3A_90 : i32
    %ne3A_92 = arith.cmpi ne, %sign3A_84, %sign3A_91 : i32
    %rem3A_93 = arith.remsi %select_n3A_28, %jit3A_76 : i32
    %ne3A_94 = arith.constant 0 : i32
    %ne3A_95 = arith.cmpi ne, %rem3A_93, %ne3A_94 : i32
    %and3A_96 = arith.andi %ne3A_92, %ne3A_95 : i1
    %sub3A_97 = arith.constant 1 : i32
    %sub3A_98 = arith.subi %div3A_77, %sub3A_97 : i32
    %select_n3A_99 = arith.select %and3A_96, %sub3A_98, %div3A_77 : i32
    %while3A_100 = arith.constant 0 : i32
    %while3A_101 = arith.constant 0 : i32
    %while3A_102 = arith.subi %select_n3A_99, %while3A_101 : i32
    %while3A_103 = arith.addi %while3A_101, %while3A_102 : i32
    %while3A_104 = arith.constant 1 : i32
    %while3A_105 = arith.divsi %while3A_102, %while3A_104 : i32
    %while3A_106 = arith.muli %while3A_105, %while3A_104 : i32
    %while3A_107 = arith.addi %while3A_101, %while3A_106 : i32
    %while3A_108 = arith.constant 1 : i32
    scf.for %while3A_115 = %while3A_101 to %while3A_107 step %while3A_108  : i32 {
      %mul3A_116 = arith.constant 2 : i32
      %mul3A_117 = arith.muli %mul3A_116, %while3A_115 : i32
      %mul3A_118 = arith.constant 2 : i32
      %mul3A_119 = arith.muli %mul3A_118, %while3A_115 : i32
      %add3A_120 = arith.constant 1 : i32
      %add3A_121 = arith.addi %mul3A_119, %add3A_120 : i32
      %dma_wait3A = arith.constant 0 : i32
      %dma_wait3A_122 = tpu.memref_slice %arg7[%mul3A_117, %dma_wait3A] : memref<64x128xi32, #tpu.memory_space<vmem>> -> memref<1x128xi32, #tpu.memory_space<vmem>>
      %dma_wait3A_123 = tpu.memref_squeeze %dma_wait3A_122 : memref<1x128xi32, #tpu.memory_space<vmem>> -> memref<128xi32, #tpu.memory_space<vmem>>
      %dma_wait3A_124 = arith.constant 0 : i32
      %dma_wait3A_125 = arith.constant 0 : i32
      %dma_wait3A_126 = tpu.memref_slice %arg4[%dma_wait3A_124, %dma_wait3A_125] : memref<10000x128xf32, #tpu.memory_space<hbm>> -> memref<10000x128xf32, #tpu.memory_space<hbm>>
      tpu.wait_indirect_dma semaphore(%arg12 : memref<!tpu.dma_semaphore, #tpu.memory_space<semaphore_mem>>) src(%dma_wait3A_126 : memref<10000x128xf32, #tpu.memory_space<hbm>>) dst(%arg9 : memref<128x128xf32, #tpu.memory_space<vmem>>)
      %dma_start3A = arith.constant 0 : i32
      %dma_start3A_127 = tpu.memref_slice %arg7[%add3A_121, %dma_start3A] : memref<64x128xi32, #tpu.memory_space<vmem>> -> memref<1x128xi32, #tpu.memory_space<vmem>>
      %dma_start3A_128 = tpu.memref_squeeze %dma_start3A_127 : memref<1x128xi32, #tpu.memory_space<vmem>> -> memref<128xi32, #tpu.memory_space<vmem>>
      %dma_start3A_129 = arith.constant 0 : i32
      %dma_start3A_130 = arith.constant 0 : i32
      %dma_start3A_131 = tpu.memref_slice %arg4[%dma_start3A_129, %dma_start3A_130] : memref<10000x128xf32, #tpu.memory_space<hbm>> -> memref<10000x128xf32, #tpu.memory_space<hbm>>
      tpu.enqueue_indirect_dma source(%dma_start3A_131 : memref<10000x128xf32, #tpu.memory_space<hbm>>) target(%arg10 : memref<128x128xf32, #tpu.memory_space<vmem>>) offsets(%dma_start3A_128 : memref<128xi32, #tpu.memory_space<vmem>>) semaphore(%arg13 : memref<!tpu.dma_semaphore, #tpu.memory_space<semaphore_mem>>)
      "tpu.region"() ({
        %run_scoped3A = tpu.sem_alloc : memref<!tpu.dma_semaphore, #tpu.memory_space<semaphore_mem>>
        %dma_start3A_143 = arith.constant 0 : i32
        %dma_start3A_144 = tpu.memref_slice %arg8[%mul3A_117, %dma_start3A_143] : memref<64x128xi32, #tpu.memory_space<vmem>> -> memref<1x128xi32, #tpu.memory_space<vmem>>
        %dma_start3A_145 = tpu.memref_squeeze %dma_start3A_144 : memref<1x128xi32, #tpu.memory_space<vmem>> -> memref<128xi32, #tpu.memory_space<vmem>>
        %dma_start3A_146 = arith.constant 0 : i32
        %dma_start3A_147 = arith.constant 0 : i32
        %dma_start3A_148 = tpu.memref_slice %arg11[%dma_start3A_146, %dma_start3A_147] : memref<10112x128xf32, #tpu.memory_space<vmem_shared>> -> memref<10112x128xf32, #tpu.memory_space<vmem_shared>>
        tpu.enqueue_indirect_dma source(%arg9 : memref<128x128xf32, #tpu.memory_space<vmem>>) target(%dma_start3A_148 : memref<10112x128xf32, #tpu.memory_space<vmem_shared>>) offsets(%dma_start3A_145 : memref<128xi32, #tpu.memory_space<vmem>>) semaphore(%run_scoped3A : memref<!tpu.dma_semaphore, #tpu.memory_space<semaphore_mem>>) {add = true}
        %dma_wait3A_149 = arith.constant 0 : i32
        %dma_wait3A_150 = tpu.memref_slice %arg8[%mul3A_117, %dma_wait3A_149] : memref<64x128xi32, #tpu.memory_space<vmem>> -> memref<1x128xi32, #tpu.memory_space<vmem>>
        %dma_wait3A_151 = tpu.memref_squeeze %dma_wait3A_150 : memref<1x128xi32, #tpu.memory_space<vmem>> -> memref<128xi32, #tpu.memory_space<vmem>>
        %dma_wait3A_152 = arith.constant 0 : i32
        %dma_wait3A_153 = arith.constant 0 : i32
        %dma_wait3A_154 = tpu.memref_slice %arg11[%dma_wait3A_152, %dma_wait3A_153] : memref<10112x128xf32, #tpu.memory_space<vmem_shared>> -> memref<10112x128xf32, #tpu.memory_space<vmem_shared>>
        tpu.wait_indirect_dma semaphore(%run_scoped3A : memref<!tpu.dma_semaphore, #tpu.memory_space<semaphore_mem>>) src(%arg9 : memref<128x128xf32, #tpu.memory_space<vmem>>) dst(%dma_wait3A_154 : memref<10112x128xf32, #tpu.memory_space<vmem_shared>>)
        tpu.yield
      }) : () -> ()
      %dma_wait3A_132 = arith.constant 0 : i32
      %dma_wait3A_133 = tpu.memref_slice %arg7[%add3A_121, %dma_wait3A_132] : memref<64x128xi32, #tpu.memory_space<vmem>> -> memref<1x128xi32, #tpu.memory_space<vmem>>
      %dma_wait3A_134 = tpu.memref_squeeze %dma_wait3A_133 : memref<1x128xi32, #tpu.memory_space<vmem>> -> memref<128xi32, #tpu.memory_space<vmem>>
      %dma_wait3A_135 = arith.constant 0 : i32
      %dma_wait3A_136 = arith.constant 0 : i32
      %dma_wait3A_137 = tpu.memref_slice %arg4[%dma_wait3A_135, %dma_wait3A_136] : memref<10000x128xf32, #tpu.memory_space<hbm>> -> memref<10000x128xf32, #tpu.memory_space<hbm>>
      tpu.wait_indirect_dma semaphore(%arg13 : memref<!tpu.dma_semaphore, #tpu.memory_space<semaphore_mem>>) src(%dma_wait3A_137 : memref<10000x128xf32, #tpu.memory_space<hbm>>) dst(%arg10 : memref<128x128xf32, #tpu.memory_space<vmem>>)
      %add3A_138 = arith.constant 1 : i32
      %add3A_139 = arith.addi %add3A_121, %add3A_138 : i32
      %lt3A = arith.cmpi slt, %add3A_139, %select_n3A_28 : i32
      %convert_element_type3A_140 = arith.extui %lt3A : i1 to i32
      %cond3A_141 = arith.constant 0 : i32
      %cond3A_142 = arith.cmpi ne, %convert_element_type3A_140, %cond3A_141 : i32
      scf.if %cond3A_142 {
        %add3A_143 = arith.constant 1 : i32
        %add3A_144 = arith.addi %add3A_121, %add3A_143 : i32
        %dma_start3A_145 = arith.constant 0 : i32
        %dma_start3A_146 = tpu.memref_slice %arg7[%add3A_144, %dma_start3A_145] : memref<64x128xi32, #tpu.memory_space<vmem>> -> memref<1x128xi32, #tpu.memory_space<vmem>>
        %dma_start3A_147 = tpu.memref_squeeze %dma_start3A_146 : memref<1x128xi32, #tpu.memory_space<vmem>> -> memref<128xi32, #tpu.memory_space<vmem>>
        %dma_start3A_148 = arith.constant 0 : i32
        %dma_start3A_149 = arith.constant 0 : i32
        %dma_start3A_150 = tpu.memref_slice %arg4[%dma_start3A_148, %dma_start3A_149] : memref<10000x128xf32, #tpu.memory_space<hbm>> -> memref<10000x128xf32, #tpu.memory_space<hbm>>
        tpu.enqueue_indirect_dma source(%dma_start3A_150 : memref<10000x128xf32, #tpu.memory_space<hbm>>) target(%arg9 : memref<128x128xf32, #tpu.memory_space<vmem>>) offsets(%dma_start3A_147 : memref<128xi32, #tpu.memory_space<vmem>>) semaphore(%arg12 : memref<!tpu.dma_semaphore, #tpu.memory_space<semaphore_mem>>)
      } else {
      }
      "tpu.region"() ({
        %run_scoped3A = tpu.sem_alloc : memref<!tpu.dma_semaphore, #tpu.memory_space<semaphore_mem>>
        %dma_start3A_143 = arith.constant 0 : i32
        %dma_start3A_144 = tpu.memref_slice %arg8[%add3A_121, %dma_start3A_143] : memref<64x128xi32, #tpu.memory_space<vmem>> -> memref<1x128xi32, #tpu.memory_space<vmem>>
        %dma_start3A_145 = tpu.memref_squeeze %dma_start3A_144 : memref<1x128xi32, #tpu.memory_space<vmem>> -> memref<128xi32, #tpu.memory_space<vmem>>
        %dma_start3A_146 = arith.constant 0 : i32
        %dma_start3A_147 = arith.constant 0 : i32
        %dma_start3A_148 = tpu.memref_slice %arg11[%dma_start3A_146, %dma_start3A_147] : memref<10112x128xf32, #tpu.memory_space<vmem_shared>> -> memref<10112x128xf32, #tpu.memory_space<vmem_shared>>
        tpu.enqueue_indirect_dma source(%arg10 : memref<128x128xf32, #tpu.memory_space<vmem>>) target(%dma_start3A_148 : memref<10112x128xf32, #tpu.memory_space<vmem_shared>>) offsets(%dma_start3A_145 : memref<128xi32, #tpu.memory_space<vmem>>) semaphore(%run_scoped3A : memref<!tpu.dma_semaphore, #tpu.memory_space<semaphore_mem>>) {add = true}
        %dma_wait3A_149 = arith.constant 0 : i32
        %dma_wait3A_150 = tpu.memref_slice %arg8[%add3A_121, %dma_wait3A_149] : memref<64x128xi32, #tpu.memory_space<vmem>> -> memref<1x128xi32, #tpu.memory_space<vmem>>
        %dma_wait3A_151 = tpu.memref_squeeze %dma_wait3A_150 : memref<1x128xi32, #tpu.memory_space<vmem>> -> memref<128xi32, #tpu.memory_space<vmem>>
        %dma_wait3A_152 = arith.constant 0 : i32
        %dma_wait3A_153 = arith.constant 0 : i32
        %dma_wait3A_154 = tpu.memref_slice %arg11[%dma_wait3A_152, %dma_wait3A_153] : memref<10112x128xf32, #tpu.memory_space<vmem_shared>> -> memref<10112x128xf32, #tpu.memory_space<vmem_shared>>
        tpu.wait_indirect_dma semaphore(%run_scoped3A : memref<!tpu.dma_semaphore, #tpu.memory_space<semaphore_mem>>) src(%arg10 : memref<128x128xf32, #tpu.memory_space<vmem>>) dst(%dma_wait3A_154 : memref<10112x128xf32, #tpu.memory_space<vmem_shared>>)
        tpu.yield
      }) : () -> ()
    }
    %while3A_109 = arith.constant 1 : i32
    scf.for %while3A_115 = %while3A_107 to %while3A_103 step %while3A_109  : i32 {
      %mul3A_116 = arith.constant 2 : i32
      %mul3A_117 = arith.muli %mul3A_116, %while3A_115 : i32
      %mul3A_118 = arith.constant 2 : i32
      %mul3A_119 = arith.muli %mul3A_118, %while3A_115 : i32
      %add3A_120 = arith.constant 1 : i32
      %add3A_121 = arith.addi %mul3A_119, %add3A_120 : i32
      %dma_wait3A = arith.constant 0 : i32
      %dma_wait3A_122 = tpu.memref_slice %arg7[%mul3A_117, %dma_wait3A] : memref<64x128xi32, #tpu.memory_space<vmem>> -> memref<1x128xi32, #tpu.memory_space<vmem>>
      %dma_wait3A_123 = tpu.memref_squeeze %dma_wait3A_122 : memref<1x128xi32, #tpu.memory_space<vmem>> -> memref<128xi32, #tpu.memory_space<vmem>>
      %dma_wait3A_124 = arith.constant 0 : i32
      %dma_wait3A_125 = arith.constant 0 : i32
      %dma_wait3A_126 = tpu.memref_slice %arg4[%dma_wait3A_124, %dma_wait3A_125] : memref<10000x128xf32, #tpu.memory_space<hbm>> -> memref<10000x128xf32, #tpu.memory_space<hbm>>
      tpu.wait_indirect_dma semaphore(%arg12 : memref<!tpu.dma_semaphore, #tpu.memory_space<semaphore_mem>>) src(%dma_wait3A_126 : memref<10000x128xf32, #tpu.memory_space<hbm>>) dst(%arg9 : memref<128x128xf32, #tpu.memory_space<vmem>>)
      %dma_start3A = arith.constant 0 : i32
      %dma_start3A_127 = tpu.memref_slice %arg7[%add3A_121, %dma_start3A] : memref<64x128xi32, #tpu.memory_space<vmem>> -> memref<1x128xi32, #tpu.memory_space<vmem>>
      %dma_start3A_128 = tpu.memref_squeeze %dma_start3A_127 : memref<1x128xi32, #tpu.memory_space<vmem>> -> memref<128xi32, #tpu.memory_space<vmem>>
      %dma_start3A_129 = arith.constant 0 : i32
      %dma_start3A_130 = arith.constant 0 : i32
      %dma_start3A_131 = tpu.memref_slice %arg4[%dma_start3A_129, %dma_start3A_130] : memref<10000x128xf32, #tpu.memory_space<hbm>> -> memref<10000x128xf32, #tpu.memory_space<hbm>>
      tpu.enqueue_indirect_dma source(%dma_start3A_131 : memref<10000x128xf32, #tpu.memory_space<hbm>>) target(%arg10 : memref<128x128xf32, #tpu.memory_space<vmem>>) offsets(%dma_start3A_128 : memref<128xi32, #tpu.memory_space<vmem>>) semaphore(%arg13 : memref<!tpu.dma_semaphore, #tpu.memory_space<semaphore_mem>>)
      "tpu.region"() ({
        %run_scoped3A = tpu.sem_alloc : memref<!tpu.dma_semaphore, #tpu.memory_space<semaphore_mem>>
        %dma_start3A_143 = arith.constant 0 : i32
        %dma_start3A_144 = tpu.memref_slice %arg8[%mul3A_117, %dma_start3A_143] : memref<64x128xi32, #tpu.memory_space<vmem>> -> memref<1x128xi32, #tpu.memory_space<vmem>>
        %dma_start3A_145 = tpu.memref_squeeze %dma_start3A_144 : memref<1x128xi32, #tpu.memory_space<vmem>> -> memref<128xi32, #tpu.memory_space<vmem>>
        %dma_start3A_146 = arith.constant 0 : i32
        %dma_start3A_147 = arith.constant 0 : i32
        %dma_start3A_148 = tpu.memref_slice %arg11[%dma_start3A_146, %dma_start3A_147] : memref<10112x128xf32, #tpu.memory_space<vmem_shared>> -> memref<10112x128xf32, #tpu.memory_space<vmem_shared>>
        tpu.enqueue_indirect_dma source(%arg9 : memref<128x128xf32, #tpu.memory_space<vmem>>) target(%dma_start3A_148 : memref<10112x128xf32, #tpu.memory_space<vmem_shared>>) offsets(%dma_start3A_145 : memref<128xi32, #tpu.memory_space<vmem>>) semaphore(%run_scoped3A : memref<!tpu.dma_semaphore, #tpu.memory_space<semaphore_mem>>) {add = true}
        %dma_wait3A_149 = arith.constant 0 : i32
        %dma_wait3A_150 = tpu.memref_slice %arg8[%mul3A_117, %dma_wait3A_149] : memref<64x128xi32, #tpu.memory_space<vmem>> -> memref<1x128xi32, #tpu.memory_space<vmem>>
        %dma_wait3A_151 = tpu.memref_squeeze %dma_wait3A_150 : memref<1x128xi32, #tpu.memory_space<vmem>> -> memref<128xi32, #tpu.memory_space<vmem>>
        %dma_wait3A_152 = arith.constant 0 : i32
        %dma_wait3A_153 = arith.constant 0 : i32
        %dma_wait3A_154 = tpu.memref_slice %arg11[%dma_wait3A_152, %dma_wait3A_153] : memref<10112x128xf32, #tpu.memory_space<vmem_shared>> -> memref<10112x128xf32, #tpu.memory_space<vmem_shared>>
        tpu.wait_indirect_dma semaphore(%run_scoped3A : memref<!tpu.dma_semaphore, #tpu.memory_space<semaphore_mem>>) src(%arg9 : memref<128x128xf32, #tpu.memory_space<vmem>>) dst(%dma_wait3A_154 : memref<10112x128xf32, #tpu.memory_space<vmem_shared>>)
        tpu.yield
      }) : () -> ()
      %dma_wait3A_132 = arith.constant 0 : i32
      %dma_wait3A_133 = tpu.memref_slice %arg7[%add3A_121, %dma_wait3A_132] : memref<64x128xi32, #tpu.memory_space<vmem>> -> memref<1x128xi32, #tpu.memory_space<vmem>>
      %dma_wait3A_134 = tpu.memref_squeeze %dma_wait3A_133 : memref<1x128xi32, #tpu.memory_space<vmem>> -> memref<128xi32, #tpu.memory_space<vmem>>
      %dma_wait3A_135 = arith.constant 0 : i32
      %dma_wait3A_136 = arith.constant 0 : i32
      %dma_wait3A_137 = tpu.memref_slice %arg4[%dma_wait3A_135, %dma_wait3A_136] : memref<10000x128xf32, #tpu.memory_space<hbm>> -> memref<10000x128xf32, #tpu.memory_space<hbm>>
      tpu.wait_indirect_dma semaphore(%arg13 : memref<!tpu.dma_semaphore, #tpu.memory_space<semaphore_mem>>) src(%dma_wait3A_137 : memref<10000x128xf32, #tpu.memory_space<hbm>>) dst(%arg10 : memref<128x128xf32, #tpu.memory_space<vmem>>)
      %add3A_138 = arith.constant 1 : i32
      %add3A_139 = arith.addi %add3A_121, %add3A_138 : i32
      %lt3A = arith.cmpi slt, %add3A_139, %select_n3A_28 : i32
      %convert_element_type3A_140 = arith.extui %lt3A : i1 to i32
      %cond3A_141 = arith.constant 0 : i32
      %cond3A_142 = arith.cmpi ne, %convert_element_type3A_140, %cond3A_141 : i32
      scf.if %cond3A_142 {
        %add3A_143 = arith.constant 1 : i32
        %add3A_144 = arith.addi %add3A_121, %add3A_143 : i32
        %dma_start3A_145 = arith.constant 0 : i32
        %dma_start3A_146 = tpu.memref_slice %arg7[%add3A_144, %dma_start3A_145] : memref<64x128xi32, #tpu.memory_space<vmem>> -> memref<1x128xi32, #tpu.memory_space<vmem>>
        %dma_start3A_147 = tpu.memref_squeeze %dma_start3A_146 : memref<1x128xi32, #tpu.memory_space<vmem>> -> memref<128xi32, #tpu.memory_space<vmem>>
        %dma_start3A_148 = arith.constant 0 : i32
        %dma_start3A_149 = arith.constant 0 : i32
        %dma_start3A_150 = tpu.memref_slice %arg4[%dma_start3A_148, %dma_start3A_149] : memref<10000x128xf32, #tpu.memory_space<hbm>> -> memref<10000x128xf32, #tpu.memory_space<hbm>>
        tpu.enqueue_indirect_dma source(%dma_start3A_150 : memref<10000x128xf32, #tpu.memory_space<hbm>>) target(%arg9 : memref<128x128xf32, #tpu.memory_space<vmem>>) offsets(%dma_start3A_147 : memref<128xi32, #tpu.memory_space<vmem>>) semaphore(%arg12 : memref<!tpu.dma_semaphore, #tpu.memory_space<semaphore_mem>>)
      } else {
      }
      "tpu.region"() ({
        %run_scoped3A = tpu.sem_alloc : memref<!tpu.dma_semaphore, #tpu.memory_space<semaphore_mem>>
        %dma_start3A_143 = arith.constant 0 : i32
        %dma_start3A_144 = tpu.memref_slice %arg8[%add3A_121, %dma_start3A_143] : memref<64x128xi32, #tpu.memory_space<vmem>> -> memref<1x128xi32, #tpu.memory_space<vmem>>
        %dma_start3A_145 = tpu.memref_squeeze %dma_start3A_144 : memref<1x128xi32, #tpu.memory_space<vmem>> -> memref<128xi32, #tpu.memory_space<vmem>>
        %dma_start3A_146 = arith.constant 0 : i32
        %dma_start3A_147 = arith.constant 0 : i32
        %dma_start3A_148 = tpu.memref_slice %arg11[%dma_start3A_146, %dma_start3A_147] : memref<10112x128xf32, #tpu.memory_space<vmem_shared>> -> memref<10112x128xf32, #tpu.memory_space<vmem_shared>>
        tpu.enqueue_indirect_dma source(%arg10 : memref<128x128xf32, #tpu.memory_space<vmem>>) target(%dma_start3A_148 : memref<10112x128xf32, #tpu.memory_space<vmem_shared>>) offsets(%dma_start3A_145 : memref<128xi32, #tpu.memory_space<vmem>>) semaphore(%run_scoped3A : memref<!tpu.dma_semaphore, #tpu.memory_space<semaphore_mem>>) {add = true}
        %dma_wait3A_149 = arith.constant 0 : i32
        %dma_wait3A_150 = tpu.memref_slice %arg8[%add3A_121, %dma_wait3A_149] : memref<64x128xi32, #tpu.memory_space<vmem>> -> memref<1x128xi32, #tpu.memory_space<vmem>>
        %dma_wait3A_151 = tpu.memref_squeeze %dma_wait3A_150 : memref<1x128xi32, #tpu.memory_space<vmem>> -> memref<128xi32, #tpu.memory_space<vmem>>
        %dma_wait3A_152 = arith.constant 0 : i32
        %dma_wait3A_153 = arith.constant 0 : i32
        %dma_wait3A_154 = tpu.memref_slice %arg11[%dma_wait3A_152, %dma_wait3A_153] : memref<10112x128xf32, #tpu.memory_space<vmem_shared>> -> memref<10112x128xf32, #tpu.memory_space<vmem_shared>>
        tpu.wait_indirect_dma semaphore(%run_scoped3A : memref<!tpu.dma_semaphore, #tpu.memory_space<semaphore_mem>>) src(%arg10 : memref<128x128xf32, #tpu.memory_space<vmem>>) dst(%dma_wait3A_154 : memref<10112x128xf32, #tpu.memory_space<vmem_shared>>)
        tpu.yield
      }) : () -> ()
    }
    %barrier3A_110 = arith.constant 0 : index
    tpu.barrier barrier_id(%barrier3A_110)
    %mul3A_111 = arith.constant 632 : i32
    %mul3A_112 = arith.muli %arg1, %mul3A_111 : i32
    %mul3A_113 = arith.constant 632 : i32
    %mul3A_114 = arith.muli %arg1, %mul3A_113 : i32
    "tpu.region"() ({
      %run_scoped3A = tpu.sem_alloc : memref<!tpu.dma_semaphore, #tpu.memory_space<semaphore_mem>>
      %dma_start3A = arith.constant 0 : i32
      %dma_start3A_115 = tpu.memref_slice %arg6[%arg0, %mul3A_114, %dma_start3A] : memref<2x10112x128xf32, #tpu.memory_space<hbm>> -> memref<1x632x128xf32, #tpu.memory_space<hbm>>
      %dma_start3A_116 = tpu.memref_squeeze %dma_start3A_115 : memref<1x632x128xf32, #tpu.memory_space<hbm>> -> memref<632x128xf32, #tpu.memory_space<hbm>>
      %dma_start3A_117 = arith.constant 0 : i32
      %dma_start3A_118 = tpu.memref_slice %arg11[%mul3A_112, %dma_start3A_117] : memref<10112x128xf32, #tpu.memory_space<vmem_shared>> -> memref<632x128xf32, #tpu.memory_space<vmem_shared>>
      tpu.enqueue_dma source(%dma_start3A_118 : memref<632x128xf32, #tpu.memory_space<vmem_shared>>) target(%dma_start3A_116 : memref<632x128xf32, #tpu.memory_space<hbm>>) target_semaphore(%run_scoped3A : memref<!tpu.dma_semaphore, #tpu.memory_space<semaphore_mem>>)
      %dma_wait3A = arith.constant 0 : i32
      %dma_wait3A_119 = tpu.memref_slice %arg6[%arg0, %mul3A_114, %dma_wait3A] : memref<2x10112x128xf32, #tpu.memory_space<hbm>> -> memref<1x632x128xf32, #tpu.memory_space<hbm>>
      %dma_wait3A_120 = tpu.memref_squeeze %dma_wait3A_119 : memref<1x632x128xf32, #tpu.memory_space<hbm>> -> memref<632x128xf32, #tpu.memory_space<hbm>>
      %dma_wait3A_121 = arith.constant 0 : i32
      %dma_wait3A_122 = tpu.memref_slice %arg11[%mul3A_112, %dma_wait3A_121] : memref<10112x128xf32, #tpu.memory_space<vmem_shared>> -> memref<632x128xf32, #tpu.memory_space<vmem_shared>>
      tpu.wait_dma2 semaphore(%run_scoped3A : memref<!tpu.dma_semaphore, #tpu.memory_space<semaphore_mem>>) src(%dma_wait3A_122 : memref<632x128xf32, #tpu.memory_space<vmem_shared>>) dst(%dma_wait3A_120 : memref<632x128xf32, #tpu.memory_space<hbm>>)
      tpu.yield
    }) : () -> ()
    return
  }
}

#map = affine_map<(d0, d1) -> (0, 0)>
#map1 = affine_map<(d0, d1) -> (0, 0, 0)>
module attributes {stable_mosaic.version = 14 : i64} {
  func.func @_deg_body(%arg0: i32, %arg1: i32, %arg2: memref<2624x128xi32, #tpu.memory_space<hbm>>, %arg3: memref<128x128xf32, #tpu.memory_space<hbm>>, %arg4: memref<632x128xf32, #tpu.memory_space<hbm>>, %arg5: memref<2x10112x128xf32, #tpu.memory_space<hbm>>, %arg6: memref<80x128xi32, #tpu.memory_space<vmem>>, %arg7: memref<128x128xf32, #tpu.memory_space<vmem>>, %arg8: memref<10112x128xf32, #tpu.memory_space<vmem_shared>>, %arg9: memref<!tpu.dma_semaphore, #tpu.memory_space<semaphore_mem>>) attributes {dimension_semantics = [#tpu.dimension_semantics<core_parallel>, #tpu.dimension_semantics<subcore_parallel>], iteration_bounds = array<i64: 2, 16>, scalar_prefetch = 0 : i64, scratch_operands = 4 : i64, tpu.core_type = #tpu.core_type<sc_vector_subcore>, window_params = [{transform_indices = #map}, {transform_indices = #map}, {transform_indices = #map}, {transform_indices = #map1}]} {
    %mul3A = arith.constant 16 : i32
    %mul3A_0 = arith.muli %arg0, %mul3A : i32
    %add3A = arith.addi %mul3A_0, %arg1 : i32
    %mul3A_1 = arith.constant 632 : i32
    %mul3A_2 = arith.muli %arg1, %mul3A_1 : i32
    "tpu.region"() ({
      %run_scoped3A = tpu.sem_alloc : memref<!tpu.dma_semaphore, #tpu.memory_space<semaphore_mem>>
      %dma_start3A = arith.constant 0 : i32
      %dma_start3A_15 = tpu.memref_slice %arg8[%mul3A_2, %dma_start3A] : memref<10112x128xf32, #tpu.memory_space<vmem_shared>> -> memref<632x128xf32, #tpu.memory_space<vmem_shared>>
      tpu.enqueue_dma source(%arg4 : memref<632x128xf32, #tpu.memory_space<hbm>>) target(%dma_start3A_15 : memref<632x128xf32, #tpu.memory_space<vmem_shared>>) target_semaphore(%run_scoped3A : memref<!tpu.dma_semaphore, #tpu.memory_space<semaphore_mem>>)
      %dma_wait3A = arith.constant 0 : i32
      %dma_wait3A_16 = tpu.memref_slice %arg8[%mul3A_2, %dma_wait3A] : memref<10112x128xf32, #tpu.memory_space<vmem_shared>> -> memref<632x128xf32, #tpu.memory_space<vmem_shared>>
      tpu.wait_dma2 semaphore(%run_scoped3A : memref<!tpu.dma_semaphore, #tpu.memory_space<semaphore_mem>>) src(%arg4 : memref<632x128xf32, #tpu.memory_space<hbm>>) dst(%dma_wait3A_16 : memref<632x128xf32, #tpu.memory_space<vmem_shared>>)
      tpu.yield
    }) : () -> ()
    "tpu.region"() ({
      %run_scoped3A = tpu.sem_alloc : memref<!tpu.dma_semaphore, #tpu.memory_space<semaphore_mem>>
      tpu.enqueue_dma source(%arg3 : memref<128x128xf32, #tpu.memory_space<hbm>>) target(%arg7 : memref<128x128xf32, #tpu.memory_space<vmem>>) target_semaphore(%run_scoped3A : memref<!tpu.dma_semaphore, #tpu.memory_space<semaphore_mem>>)
      tpu.wait_dma2 semaphore(%run_scoped3A : memref<!tpu.dma_semaphore, #tpu.memory_space<semaphore_mem>>) src(%arg3 : memref<128x128xf32, #tpu.memory_space<hbm>>) dst(%arg7 : memref<128x128xf32, #tpu.memory_space<vmem>>)
      tpu.yield
    }) : () -> ()
    %mul3A_3 = arith.constant 80 : i32
    %mul3A_4 = arith.muli %add3A, %mul3A_3 : i32
    "tpu.region"() ({
      %run_scoped3A = tpu.sem_alloc : memref<!tpu.dma_semaphore, #tpu.memory_space<semaphore_mem>>
      %dma_start3A = arith.constant 0 : i32
      %dma_start3A_15 = tpu.memref_slice %arg2[%mul3A_4, %dma_start3A] : memref<2624x128xi32, #tpu.memory_space<hbm>> -> memref<80x128xi32, #tpu.memory_space<hbm>>
      %dma_start3A_16 = arith.constant 0 : i32
      %dma_start3A_17 = tpu.memref_slice %arg2[%mul3A_4, %dma_start3A_16] : memref<2624x128xi32, #tpu.memory_space<hbm>> -> memref<80x128xi32, #tpu.memory_space<hbm>>
      tpu.enqueue_dma source(%dma_start3A_17 : memref<80x128xi32, #tpu.memory_space<hbm>>) target(%arg6 : memref<80x128xi32, #tpu.memory_space<vmem>>) target_semaphore(%run_scoped3A : memref<!tpu.dma_semaphore, #tpu.memory_space<semaphore_mem>>)
      %dma_wait3A = arith.constant 0 : i32
      %dma_wait3A_18 = tpu.memref_slice %arg2[%mul3A_4, %dma_wait3A] : memref<2624x128xi32, #tpu.memory_space<hbm>> -> memref<80x128xi32, #tpu.memory_space<hbm>>
      %dma_wait3A_19 = arith.constant 0 : i32
      %dma_wait3A_20 = tpu.memref_slice %arg2[%mul3A_4, %dma_wait3A_19] : memref<2624x128xi32, #tpu.memory_space<hbm>> -> memref<80x128xi32, #tpu.memory_space<hbm>>
      tpu.wait_dma2 semaphore(%run_scoped3A : memref<!tpu.dma_semaphore, #tpu.memory_space<semaphore_mem>>) src(%dma_wait3A_20 : memref<80x128xi32, #tpu.memory_space<hbm>>) dst(%arg6 : memref<80x128xi32, #tpu.memory_space<vmem>>)
      tpu.yield
    }) : () -> ()
    %barrier3A = arith.constant 0 : index
    tpu.barrier barrier_id(%barrier3A)
    %scan3A = arith.constant 0 : i32
    %scan3A_5 = arith.constant 0 : i32
    %scan3A_6 = arith.constant 80 : i32
    %scan3A_7 = arith.addi %scan3A_5, %scan3A_6 : i32
    %scan3A_8 = arith.constant 1 : i32
    scf.for %scan3A_15 = %scan3A_5 to %scan3A_7 step %scan3A_8  : i32 {
      "tpu.region"() ({
        %run_scoped3A = tpu.sem_alloc : memref<!tpu.dma_semaphore, #tpu.memory_space<semaphore_mem>>
        %dma_start3A = arith.constant 0 : i32
        %dma_start3A_16 = tpu.memref_slice %arg6[%scan3A_15, %dma_start3A] : memref<80x128xi32, #tpu.memory_space<vmem>> -> memref<1x128xi32, #tpu.memory_space<vmem>>
        %dma_start3A_17 = tpu.memref_squeeze %dma_start3A_16 : memref<1x128xi32, #tpu.memory_space<vmem>> -> memref<128xi32, #tpu.memory_space<vmem>>
        %dma_start3A_18 = arith.constant 0 : i32
        %dma_start3A_19 = arith.constant 0 : i32
        %dma_start3A_20 = tpu.memref_slice %arg8[%dma_start3A_18, %dma_start3A_19] : memref<10112x128xf32, #tpu.memory_space<vmem_shared>> -> memref<10112x128xf32, #tpu.memory_space<vmem_shared>>
        tpu.enqueue_indirect_dma source(%arg7 : memref<128x128xf32, #tpu.memory_space<vmem>>) target(%dma_start3A_20 : memref<10112x128xf32, #tpu.memory_space<vmem_shared>>) offsets(%dma_start3A_17 : memref<128xi32, #tpu.memory_space<vmem>>) semaphore(%run_scoped3A : memref<!tpu.dma_semaphore, #tpu.memory_space<semaphore_mem>>) {add = true}
        %dma_wait3A = arith.constant 0 : i32
        %dma_wait3A_21 = tpu.memref_slice %arg6[%scan3A_15, %dma_wait3A] : memref<80x128xi32, #tpu.memory_space<vmem>> -> memref<1x128xi32, #tpu.memory_space<vmem>>
        %dma_wait3A_22 = tpu.memref_squeeze %dma_wait3A_21 : memref<1x128xi32, #tpu.memory_space<vmem>> -> memref<128xi32, #tpu.memory_space<vmem>>
        %dma_wait3A_23 = arith.constant 0 : i32
        %dma_wait3A_24 = arith.constant 0 : i32
        %dma_wait3A_25 = tpu.memref_slice %arg8[%dma_wait3A_23, %dma_wait3A_24] : memref<10112x128xf32, #tpu.memory_space<vmem_shared>> -> memref<10112x128xf32, #tpu.memory_space<vmem_shared>>
        tpu.wait_indirect_dma semaphore(%run_scoped3A : memref<!tpu.dma_semaphore, #tpu.memory_space<semaphore_mem>>) src(%arg7 : memref<128x128xf32, #tpu.memory_space<vmem>>) dst(%dma_wait3A_25 : memref<10112x128xf32, #tpu.memory_space<vmem_shared>>)
        tpu.yield
      }) : () -> ()
    }
    %scan3A_9 = arith.constant 80 : i32
    %barrier3A_10 = arith.constant 0 : index
    tpu.barrier barrier_id(%barrier3A_10)
    %mul3A_11 = arith.constant 632 : i32
    %mul3A_12 = arith.muli %arg1, %mul3A_11 : i32
    %mul3A_13 = arith.constant 632 : i32
    %mul3A_14 = arith.muli %arg1, %mul3A_13 : i32
    "tpu.region"() ({
      %run_scoped3A = tpu.sem_alloc : memref<!tpu.dma_semaphore, #tpu.memory_space<semaphore_mem>>
      %dma_start3A = arith.constant 0 : i32
      %dma_start3A_15 = tpu.memref_slice %arg5[%arg0, %mul3A_14, %dma_start3A] : memref<2x10112x128xf32, #tpu.memory_space<hbm>> -> memref<1x632x128xf32, #tpu.memory_space<hbm>>
      %dma_start3A_16 = tpu.memref_squeeze %dma_start3A_15 : memref<1x632x128xf32, #tpu.memory_space<hbm>> -> memref<632x128xf32, #tpu.memory_space<hbm>>
      %dma_start3A_17 = arith.constant 0 : i32
      %dma_start3A_18 = tpu.memref_slice %arg8[%mul3A_12, %dma_start3A_17] : memref<10112x128xf32, #tpu.memory_space<vmem_shared>> -> memref<632x128xf32, #tpu.memory_space<vmem_shared>>
      tpu.enqueue_dma source(%dma_start3A_18 : memref<632x128xf32, #tpu.memory_space<vmem_shared>>) target(%dma_start3A_16 : memref<632x128xf32, #tpu.memory_space<hbm>>) target_semaphore(%run_scoped3A : memref<!tpu.dma_semaphore, #tpu.memory_space<semaphore_mem>>)
      %dma_wait3A = arith.constant 0 : i32
      %dma_wait3A_19 = tpu.memref_slice %arg5[%arg0, %mul3A_14, %dma_wait3A] : memref<2x10112x128xf32, #tpu.memory_space<hbm>> -> memref<1x632x128xf32, #tpu.memory_space<hbm>>
      %dma_wait3A_20 = tpu.memref_squeeze %dma_wait3A_19 : memref<1x632x128xf32, #tpu.memory_space<hbm>> -> memref<632x128xf32, #tpu.memory_space<hbm>>
      %dma_wait3A_21 = arith.constant 0 : i32
      %dma_wait3A_22 = tpu.memref_slice %arg8[%mul3A_12, %dma_wait3A_21] : memref<10112x128xf32, #tpu.memory_space<vmem_shared>> -> memref<632x128xf32, #tpu.memory_space<vmem_shared>>
      tpu.wait_dma2 semaphore(%run_scoped3A : memref<!tpu.dma_semaphore, #tpu.memory_space<semaphore_mem>>) src(%dma_wait3A_22 : memref<632x128xf32, #tpu.memory_space<vmem_shared>>) dst(%dma_wait3A_20 : memref<632x128xf32, #tpu.memory_space<hbm>>)
      tpu.yield
    }) : () -> ()
    return
  }
}

module attributes {stable_mosaic.version = 14 : i64} {
  func.func @_tca_body(%arg0: i32, %arg1: memref<1000x128xf32, #tpu.memory_space<vmem>>, %arg2: memref<128x128xf32, #tpu.memory_space<vmem>>, %arg3: memref<2x1000x128xf32, #tpu.memory_space<vmem>>, %arg4: memref<1000x128xf32, #tpu.memory_space<vmem>>, %arg5: memref<1000x1xf32, #tpu.memory_space<vmem>>) attributes {dimension_semantics = [#tpu.dimension_semantics<arbitrary>], iteration_bounds = array<i64: 10>, scalar_prefetch = 0 : i64, scratch_operands = 0 : i64, tpu.core_type = #tpu.core_type<tc>, window_params = [{transform_indices = @transform_0, window_bounds = array<i64: 1000, 128>}, {pipeline_mode = #tpu.pipeline_mode<synchronous>, transform_indices = @transform_1, window_bounds = array<i64: 128, 128>}, {transform_indices = @transform_2, window_bounds = array<i64: 2, 1000, 128>}, {transform_indices = @transform_3, window_bounds = array<i64: 1000, 128>}, {transform_indices = @transform_4, window_bounds = array<i64: 1000, 1>}]} {
    %get3A = arith.constant 0 : index
    %get3A_0 = arith.constant 0 : index
    %get3A_1 = vector.load %arg1[%get3A, %get3A_0] : memref<1000x128xf32, #tpu.memory_space<vmem>>, vector<1000x128xf32>
    %get3A_2 = arith.constant 0 : index
    %get3A_3 = arith.constant 0 : index
    %get3A_4 = vector.load %arg2[%get3A_2, %get3A_3] : memref<128x128xf32, #tpu.memory_space<vmem>>, vector<128x128xf32>
    %dot_general3A = arith.constant dense<0.000000e+00> : vector<1000x128xf32>
    %dot_general3A_5 = tpu.matmul %get3A_1, %get3A_4, %dot_general3A {dimension_numbers = #tpu.dot_dimension_numbers<[1], [0], [0], [1], [0, 0, 1, 1], [], []>, transpose_lhs_hint = false} : vector<1000x128xf32>, vector<128x128xf32>, vector<1000x128xf32> -> vector<1000x128xf32>
    %get3A_6 = arith.constant 0 : index
    %get3A_7 = arith.constant 0 : index
    %get3A_8 = arith.constant 0 : index
    %get3A_9 = vector.load %arg3[%get3A_6, %get3A_7, %get3A_8] : memref<2x1000x128xf32, #tpu.memory_space<vmem>>, vector<1x1000x1xf32>
    %get3A_10 = vector.shape_cast %get3A_9 : vector<1x1000x1xf32> to vector<1000x1xf32>
    %get3A_11 = arith.constant 1 : index
    %get3A_12 = arith.constant 0 : index
    %get3A_13 = arith.constant 0 : index
    %get3A_14 = vector.load %arg3[%get3A_11, %get3A_12, %get3A_13] : memref<2x1000x128xf32, #tpu.memory_space<vmem>>, vector<1x1000x1xf32>
    %get3A_15 = vector.shape_cast %get3A_14 : vector<1x1000x1xf32> to vector<1000x1xf32>
    %add3A = arith.addf %get3A_10, %get3A_15 : vector<1000x1xf32>
    %add3A_16 = arith.constant 1.000000e+00 : f32
    %add3A_17 = vector.broadcast %add3A_16 : f32 to vector<1000x1xf32>
    %add3A_18 = arith.addf %add3A, %add3A_17 : vector<1000x1xf32>
    %rsqrt3A = math.rsqrt %add3A_18 : vector<1000x1xf32>
    %swap3A = arith.constant 0 : index
    %swap3A_19 = arith.constant 0 : index
    %swap3A_20 = vector.load %arg5[%swap3A, %swap3A_19] : memref<1000x1xf32, #tpu.memory_space<vmem>>, vector<1000x1xf32>
    tpu.vector_store %arg5[%swap3A, %swap3A_19], %rsqrt3A {strides = array<i32>} : memref<1000x1xf32, #tpu.memory_space<vmem>>, vector<1000x1xf32>,
    %mul3A = vector.broadcast %rsqrt3A : vector<1000x1xf32> to vector<1000x128xf32>
    %mul3A_21 = arith.mulf %mul3A, %dot_general3A_5 : vector<1000x128xf32>
    %swap3A_22 = arith.constant 0 : index
    %swap3A_23 = arith.constant 0 : index
    %swap3A_24 = vector.load %arg4[%swap3A_22, %swap3A_23] : memref<1000x128xf32, #tpu.memory_space<vmem>>, vector<1000x128xf32>
    tpu.vector_store %arg4[%swap3A_22, %swap3A_23], %mul3A_21 {strides = array<i32>} : memref<1000x128xf32, #tpu.memory_space<vmem>>, vector<1000x128xf32>,
    return
  }
  func.func @transform_0(%arg0: i32) -> (i32, i32) {
    %c0_i32 = arith.constant 0 : i32
    %c0_i32_0 = arith.constant 0 : i32
    return %arg0, %c0_i32 : i32, i32
  }
  func.func @transform_1(%arg0: i32) -> (i32, i32) {
    %c0_i32 = arith.constant 0 : i32
    %c0_i32_0 = arith.constant 0 : i32
    %c0_i32_1 = arith.constant 0 : i32
    return %c0_i32, %c0_i32_0 : i32, i32
  }
  func.func @transform_2(%arg0: i32) -> (i32, i32, i32) {
    %c0_i32 = arith.constant 0 : i32
    %c0_i32_0 = arith.constant 0 : i32
    %c0_i32_1 = arith.constant 0 : i32
    return %c0_i32, %arg0, %c0_i32_0 : i32, i32, i32
  }
  func.func @transform_3(%arg0: i32) -> (i32, i32) {
    %c0_i32 = arith.constant 0 : i32
    %c0_i32_0 = arith.constant 0 : i32
    return %arg0, %c0_i32 : i32, i32
  }
  func.func @transform_4(%arg0: i32) -> (i32, i32) {
    %c0_i32 = arith.constant 0 : i32
    %c0_i32_0 = arith.constant 0 : i32
    return %arg0, %c0_i32 : i32, i32
  }
}

module attributes {stable_mosaic.version = 14 : i64} {
  func.func @_tcb_body(%arg0: i32, %arg1: memref<2x1000x128xf32, #tpu.memory_space<vmem>>, %arg2: memref<1000x128xf32, #tpu.memory_space<vmem>>, %arg3: memref<1000x1xf32, #tpu.memory_space<vmem>>, %arg4: memref<1x128xf32, #tpu.memory_space<vmem>>, %arg5: memref<128x128xf32, #tpu.memory_space<vmem>>, %arg6: memref<1000x128xf32, #tpu.memory_space<vmem>>) attributes {dimension_semantics = [#tpu.dimension_semantics<arbitrary>], iteration_bounds = array<i64: 10>, scalar_prefetch = 0 : i64, scratch_operands = 0 : i64, tpu.core_type = #tpu.core_type<tc>, window_params = [{transform_indices = @transform_0, window_bounds = array<i64: 2, 1000, 128>}, {transform_indices = @transform_1, window_bounds = array<i64: 1000, 128>}, {transform_indices = @transform_2, window_bounds = array<i64: 1000, 1>}, {pipeline_mode = #tpu.pipeline_mode<synchronous>, transform_indices = @transform_3, window_bounds = array<i64: 1, 128>}, {pipeline_mode = #tpu.pipeline_mode<synchronous>, transform_indices = @transform_4, window_bounds = array<i64: 128, 128>}, {transform_indices = @transform_5, window_bounds = array<i64: 1000, 128>}]} {
    %get3A = arith.constant 0 : index
    %get3A_0 = arith.constant 0 : index
    %get3A_1 = vector.load %arg3[%get3A, %get3A_0] : memref<1000x1xf32, #tpu.memory_space<vmem>>, vector<1000x1xf32>
    %get3A_2 = arith.constant 0 : index
    %get3A_3 = arith.constant 0 : index
    %get3A_4 = arith.constant 0 : index
    %get3A_5 = vector.load %arg1[%get3A_2, %get3A_3, %get3A_4] : memref<2x1000x128xf32, #tpu.memory_space<vmem>>, vector<1x1000x128xf32>
    %get3A_6 = vector.shape_cast %get3A_5 : vector<1x1000x128xf32> to vector<1000x128xf32>
    %get3A_7 = arith.constant 1 : index
    %get3A_8 = arith.constant 0 : index
    %get3A_9 = arith.constant 0 : index
    %get3A_10 = vector.load %arg1[%get3A_7, %get3A_8, %get3A_9] : memref<2x1000x128xf32, #tpu.memory_space<vmem>>, vector<1x1000x128xf32>
    %get3A_11 = vector.shape_cast %get3A_10 : vector<1x1000x128xf32> to vector<1000x128xf32>
    %add3A = arith.addf %get3A_6, %get3A_11 : vector<1000x128xf32>
    %get3A_12 = arith.constant 0 : index
    %get3A_13 = arith.constant 0 : index
    %get3A_14 = vector.load %arg2[%get3A_12, %get3A_13] : memref<1000x128xf32, #tpu.memory_space<vmem>>, vector<1000x128xf32>
    %add3A_15 = arith.addf %add3A, %get3A_14 : vector<1000x128xf32>
    %mul3A = vector.broadcast %get3A_1 : vector<1000x1xf32> to vector<1000x128xf32>
    %mul3A_16 = arith.mulf %mul3A, %add3A_15 : vector<1000x128xf32>
    %get3A_17 = arith.constant 0 : index
    %get3A_18 = arith.constant 0 : index
    %get3A_19 = vector.load %arg4[%get3A_17, %get3A_18] : memref<1x128xf32, #tpu.memory_space<vmem>>, vector<1x128xf32>
    %add3A_20 = vector.broadcast %get3A_19 : vector<1x128xf32> to vector<1000x128xf32>
    %add3A_21 = arith.addf %mul3A_16, %add3A_20 : vector<1000x128xf32>
    %max3A = arith.constant 0.000000e+00 : f32
    %max3A_22 = vector.broadcast %max3A : f32 to vector<1000x128xf32>
    %max3A_23 = arith.maximumf %add3A_21, %max3A_22 : vector<1000x128xf32>
    %get3A_24 = arith.constant 0 : index
    %get3A_25 = arith.constant 0 : index
    %get3A_26 = vector.load %arg5[%get3A_24, %get3A_25] : memref<128x128xf32, #tpu.memory_space<vmem>>, vector<128x128xf32>
    %dot_general3A = arith.constant dense<0.000000e+00> : vector<1000x128xf32>
    %dot_general3A_27 = tpu.matmul %max3A_23, %get3A_26, %dot_general3A {dimension_numbers = #tpu.dot_dimension_numbers<[1], [0], [0], [1], [0, 0, 1, 1], [], []>, transpose_lhs_hint = false} : vector<1000x128xf32>, vector<128x128xf32>, vector<1000x128xf32> -> vector<1000x128xf32>
    %mul3A_28 = vector.broadcast %get3A_1 : vector<1000x1xf32> to vector<1000x128xf32>
    %mul3A_29 = arith.mulf %mul3A_28, %dot_general3A_27 : vector<1000x128xf32>
    %swap3A = arith.constant 0 : index
    %swap3A_30 = arith.constant 0 : index
    %swap3A_31 = vector.load %arg6[%swap3A, %swap3A_30] : memref<1000x128xf32, #tpu.memory_space<vmem>>, vector<1000x128xf32>
    tpu.vector_store %arg6[%swap3A, %swap3A_30], %mul3A_29 {strides = array<i32>} : memref<1000x128xf32, #tpu.memory_space<vmem>>, vector<1000x128xf32>,
    return
  }
  func.func @transform_0(%arg0: i32) -> (i32, i32, i32) {
    %c0_i32 = arith.constant 0 : i32
    %c0_i32_0 = arith.constant 0 : i32
    %c0_i32_1 = arith.constant 0 : i32
    return %c0_i32, %arg0, %c0_i32_0 : i32, i32, i32
  }
  func.func @transform_1(%arg0: i32) -> (i32, i32) {
    %c0_i32 = arith.constant 0 : i32
    %c0_i32_0 = arith.constant 0 : i32
    return %arg0, %c0_i32 : i32, i32
  }
  func.func @transform_2(%arg0: i32) -> (i32, i32) {
    %c0_i32 = arith.constant 0 : i32
    %c0_i32_0 = arith.constant 0 : i32
    return %arg0, %c0_i32 : i32, i32
  }
  func.func @transform_3(%arg0: i32) -> (i32, i32) {
    %c0_i32 = arith.constant 0 : i32
    %c0_i32_0 = arith.constant 0 : i32
    %c0_i32_1 = arith.constant 0 : i32
    return %c0_i32, %c0_i32_0 : i32, i32
  }
  func.func @transform_4(%arg0: i32) -> (i32, i32) {
    %c0_i32 = arith.constant 0 : i32
    %c0_i32_0 = arith.constant 0 : i32
    %c0_i32_1 = arith.constant 0 : i32
    return %c0_i32, %c0_i32_0 : i32, i32
  }
  func.func @transform_5(%arg0: i32) -> (i32, i32) {
    %c0_i32 = arith.constant 0 : i32
    %c0_i32_0 = arith.constant 0 : i32
    return %arg0, %c0_i32 : i32, i32
  }
}

module attributes {stable_mosaic.version = 14 : i64} {
  func.func @_tcc_body(%arg0: i32, %arg1: memref<2x1000x128xf32, #tpu.memory_space<vmem>>, %arg2: memref<1000x128xf32, #tpu.memory_space<vmem>>, %arg3: memref<1000x1xf32, #tpu.memory_space<vmem>>, %arg4: memref<1x128xf32, #tpu.memory_space<vmem>>, %arg5: memref<1000x128xf32, #tpu.memory_space<vmem>>) attributes {dimension_semantics = [#tpu.dimension_semantics<arbitrary>], iteration_bounds = array<i64: 10>, scalar_prefetch = 0 : i64, scratch_operands = 0 : i64, tpu.core_type = #tpu.core_type<tc>, window_params = [{transform_indices = @transform_0, window_bounds = array<i64: 2, 1000, 128>}, {transform_indices = @transform_1, window_bounds = array<i64: 1000, 128>}, {transform_indices = @transform_2, window_bounds = array<i64: 1000, 1>}, {pipeline_mode = #tpu.pipeline_mode<synchronous>, transform_indices = @transform_3, window_bounds = array<i64: 1, 128>}, {transform_indices = @transform_4, window_bounds = array<i64: 1000, 128>}]} {
    %get3A = arith.constant 0 : index
    %get3A_0 = arith.constant 0 : index
    %get3A_1 = vector.load %arg3[%get3A, %get3A_0] : memref<1000x1xf32, #tpu.memory_space<vmem>>, vector<1000x1xf32>
    %get3A_2 = arith.constant 0 : index
    %get3A_3 = arith.constant 0 : index
    %get3A_4 = arith.constant 0 : index
    %get3A_5 = vector.load %arg1[%get3A_2, %get3A_3, %get3A_4] : memref<2x1000x128xf32, #tpu.memory_space<vmem>>, vector<1x1000x128xf32>
    %get3A_6 = vector.shape_cast %get3A_5 : vector<1x1000x128xf32> to vector<1000x128xf32>
    %get3A_7 = arith.constant 1 : index
    %get3A_8 = arith.constant 0 : index
    %get3A_9 = arith.constant 0 : index
    %get3A_10 = vector.load %arg1[%get3A_7, %get3A_8, %get3A_9] : memref<2x1000x128xf32, #tpu.memory_space<vmem>>, vector<1x1000x128xf32>
    %get3A_11 = vector.shape_cast %get3A_10 : vector<1x1000x128xf32> to vector<1000x128xf32>
    %add3A = arith.addf %get3A_6, %get3A_11 : vector<1000x128xf32>
    %get3A_12 = arith.constant 0 : index
    %get3A_13 = arith.constant 0 : index
    %get3A_14 = vector.load %arg2[%get3A_12, %get3A_13] : memref<1000x128xf32, #tpu.memory_space<vmem>>, vector<1000x128xf32>
    %add3A_15 = arith.addf %add3A, %get3A_14 : vector<1000x128xf32>
    %mul3A = vector.broadcast %get3A_1 : vector<1000x1xf32> to vector<1000x128xf32>
    %mul3A_16 = arith.mulf %mul3A, %add3A_15 : vector<1000x128xf32>
    %get3A_17 = arith.constant 0 : index
    %get3A_18 = arith.constant 0 : index
    %get3A_19 = vector.load %arg4[%get3A_17, %get3A_18] : memref<1x128xf32, #tpu.memory_space<vmem>>, vector<1x128xf32>
    %add3A_20 = vector.broadcast %get3A_19 : vector<1x128xf32> to vector<1000x128xf32>
    %add3A_21 = arith.addf %mul3A_16, %add3A_20 : vector<1000x128xf32>
    %reduce_max3A = arith.constant dense<0xFF800000> : vector<1000xf32>
    %reduce_max3A_22 = vector.multi_reduction <maximumf>, %add3A_21, %reduce_max3A [1] : vector<1000x128xf32> to vector<1000xf32>
    %broadcast_in_dim3A = vector.shape_cast %reduce_max3A_22 : vector<1000xf32> to vector<1000x1xf32>
    %sub3A = vector.broadcast %broadcast_in_dim3A : vector<1000x1xf32> to vector<1000x128xf32>
    %sub3A_23 = arith.subf %add3A_21, %sub3A : vector<1000x128xf32>
    %exp3A = math.exp %sub3A_23 : vector<1000x128xf32>
    %reduce_sum3A = arith.constant dense<0.000000e+00> : vector<1000xf32>
    %reduce_sum3A_24 = vector.multi_reduction <add>, %exp3A, %reduce_sum3A [1] : vector<1000x128xf32> to vector<1000xf32>
    %broadcast_in_dim3A_25 = vector.shape_cast %reduce_sum3A_24 : vector<1000xf32> to vector<1000x1xf32>
    %log3A = math.log %broadcast_in_dim3A_25 : vector<1000x1xf32>
    %sub3A_26 = vector.broadcast %log3A : vector<1000x1xf32> to vector<1000x128xf32>
    %sub3A_27 = arith.subf %sub3A_23, %sub3A_26 : vector<1000x128xf32>
    %swap3A = arith.constant 0 : index
    %swap3A_28 = arith.constant 0 : index
    %swap3A_29 = vector.load %arg5[%swap3A, %swap3A_28] : memref<1000x128xf32, #tpu.memory_space<vmem>>, vector<1000x128xf32>
    tpu.vector_store %arg5[%swap3A, %swap3A_28], %sub3A_27 {strides = array<i32>} : memref<1000x128xf32, #tpu.memory_space<vmem>>, vector<1000x128xf32>,
    return
  }
  func.func @transform_0(%arg0: i32) -> (i32, i32, i32) {
    %c0_i32 = arith.constant 0 : i32
    %c0_i32_0 = arith.constant 0 : i32
    %c0_i32_1 = arith.constant 0 : i32
    return %c0_i32, %arg0, %c0_i32_0 : i32, i32, i32
  }
  func.func @transform_1(%arg0: i32) -> (i32, i32) {
    %c0_i32 = arith.constant 0 : i32
    %c0_i32_0 = arith.constant 0 : i32
    return %arg0, %c0_i32 : i32, i32
  }
  func.func @transform_2(%arg0: i32) -> (i32, i32) {
    %c0_i32 = arith.constant 0 : i32
    %c0_i32_0 = arith.constant 0 : i32
    return %arg0, %c0_i32 : i32, i32
  }
  func.func @transform_3(%arg0: i32) -> (i32, i32) {
    %c0_i32 = arith.constant 0 : i32
    %c0_i32_0 = arith.constant 0 : i32
    %c0_i32_1 = arith.constant 0 : i32
    return %c0_i32, %c0_i32_0 : i32, i32
  }
  func.func @transform_4(%arg0: i32) -> (i32, i32) {
    %c0_i32 = arith.constant 0 : i32
    %c0_i32_0 = arith.constant 0 : i32
    return %arg0, %c0_i32 : i32, i32
  }
}

</mosaic_0001>

<sc_bundles>
// kernel: kernel.11.cloned.1.call-start
scs
__scs_entry_jumppad:
0x0: {  	(pc) =	sbr.rel $0x88, $3  }
0x1: {  	(tag) =	ssettag $0x0;
	lr =	simm.s32 $0x1  }
0x2: {  	[smem:$0x3F9B] =	sst lr;
	_ =	strace $0xD0000000  }
0x3: {  	_ = 	snop  }
0x4: {  	_ = 	snop  }
0x5: {  	_ = 	snop  }
0x6: {  	_ = 	snop  }
0x7: {  	_ = 	snop  }
__scs_overlays_trampoline_lowered:
0x8: {  	[smem:$0x3FAA] =	sst s0  }
0x9: {  	[smem:$0x3FAB] =	sst s1  }
0xa: {  	[smem:$0x3FAC] =	sst s2  }
0xb: {  	[smem:$0x3FAD] =	sst s3  }
0xc: {  	[smem:$0x3FAE] =	sst s4  }
0xd: {  	[smem:$0x3FAF] =	sst s5  }
0xe: {  	[smem:$0x3FB0] =	sst s6  }
0xf: {  	[smem:$0x3FB1] =	sst s7  }
0x10: {  	[smem:$0x3FB2] =	sst s8  }
0x11: {  	[smem:$0x3FB3] =	sst s9;
	s0 =	simm.s32 @!p0 $0x0  }
0x12: {  	s1 =	sld [smem:$0x3F99];
	s0 =	simm.s32 @p0 $0x1  }
0x13: {  	[smem:$0x3FB4] =	sst s0;
	s0 =	simm.s32 @!p1 $0x0  }
0x14: {  	s2 =	sld [smem:$0x3F98];
	s0 =	simm.s32 @p1 $0x1  }
0x15: {  	[smem:$0x3FB5] =	sst s0;
	s0 =	simm.s32 @!p2 $0x0  }
0x16: {  	s3 =	sld [smem:$0x3FDB];
	s0 =	simm.s32 @p2 $0x1  }
0x17: {  	s4 =	simm.s32 $0x1BF5;
	[smem:$0x3FB7] =	sst s0  }
0x18: {  	s0 =	sld [smem:$0x3F9A];
	_ =	swait.ge [sflag:s4], $0x0  }
0x19: {  	s7 =	sld [smem:$0x3F9B]  }
0x1a: {  	s8 =	sadd.s32 $0xFFFFE003, lr  }
0x1b: {  	s9 =	sadd.s32 $0xFFFFFEF7, lr;
	s5 =	simm.s32 $0xFFFFFFFF;
	p2 =	slt.u32 s8, $0xFFFFF086  }
0x1c: {  	p1 =	slt.u32 s9, $0xF7A;
	s5 =	simm.s32 @!p2 $0x0  }
0x1d: {  	s5 =	simm.s32 @p1 $0x1;
	p0 =	seq.s32 s7, s2  }
0x1e: {  	s7 =	smul.u32 @!p0 $0xF7A, s2;
	p2 =	seq.s32 @!p0 s5, $0x0  }
0x1f: {  	s9 =	smul.u32 $0xF7A, s1;
	s8 =	simm.s32 @!p0 $0x1BF5;
	p2 =	por !p2, p0  }
0x20: {  	[sflag:s8] =	ssyncset.s32 @!p0 $0xFFFFF086;
	s6 =	sadd.s32 @!p0 s3, s7;
	s7 =	simm.s32 @!p0 $0x108  }
0x21: {  	s3 =	sadd.s32 s3, s9;
	s6 =	sadd.s32 @!p0 $0x88, s6;
	s7 =	simm.s32 @p2 $0x1082  }
0x22: {  	[simem:s7], [sflag:s8] =	dma.local @!p0 [hbm:s6], $0xF7A  }
0x23: {  	s9 =	sor.u32 $0xD0000000, s2;
	s6 =	simm.s32 $0x108;
	_ =	swait.ge @!p0 [sflag:s8], $0x0  }
0x24: {  	s3 =	sadd.s32 $0x88, s3;
	s6 =	simm.s32 @!p1 $0x1082;
	[sflag:s4] =	ssyncset.s32 $0xFFFFF086  }
0x25: {  	[simem:s6], [sflag:s4] =	dma.local [hbm:s3], $0xF7A  }
0x26: {  	[smem:$0x3F9B] =	sst s1;
	(tag) =	ssettag s2;
	_ =	strace s9  }
0x27: {  	s1 =	sld [smem:$0x3FAB]  }
0x28: {  	s2 =	sld [smem:$0x3FAC]  }
0x29: {  	s4 =	sld [smem:$0x3FAE]  }
0x2a: {  	p0 =	seq.s32 s5, $0x0;
	s5 =	sld [smem:$0x3FAF]  }
0x2b: {  	s6 =	sld [smem:$0x3FB0]  }
0x2c: {  	s7 =	sld [smem:$0x3FB1]  }
0x2d: {  	s3 =	simm.s32 $0x108;
	s8 =	sld [smem:$0x3FB2]  }
0x2e: {  	s3 =	simm.s32 @!p0 $0x1082;
	s9 =	sld [smem:$0x3FB3]  }
0x2f: {  	lr =	sadd.s32 s0, s3;
	s0 =	sld [smem:$0x3FAA]  }
0x30: {  	s3 =	sld [smem:$0x3FAD]  }
0x31: {  	[smem:$0x3FB6] =	sst s10  }
0x32: {  	s10 =	sld [smem:$0x3FB4];
	_ =	sdelay $0x3  }
0x33: {  	p0 =	seq.s32 s10, $0x1;
	s10 =	sld [smem:$0x3FB6];
	_ =	sdelay $0x3  }
0x34: {  	[smem:$0x3FB6] =	sst s10  }
0x35: {  	s10 =	sld [smem:$0x3FB5];
	_ =	sdelay $0x3  }
0x36: {  	p1 =	seq.s32 s10, $0x1;
	s10 =	sld [smem:$0x3FB6];
	_ =	sdelay $0x3  }
0x37: {  	[smem:$0x3FB6] =	sst s10  }
0x38: {  	s10 =	sld [smem:$0x3FB7]  }
0x39: {  	_ = 	snop;
	(pc) =	sbr.ind lr, $3  }
0x3a: {  	_ = 	snop  }
0x3b: {  	_ = 	snop  }
0x3c: {  	p2 =	seq.s32 s10, $0x1;
	s10 =	sld [smem:$0x3FB6]  }
0x3d: {  	_ =	shalt  }
0x3e: {  	_ =	shalt  }
0x3f: {  	_ =	shalt  }
0x40: {  	_ =	shalt  }
0x41: {  	_ =	shalt  }
0x42: {  	_ =	shalt  }
0x43: {  	_ =	shalt  }
0x44: {  	_ =	shalt  }
0x45: {  	_ =	shalt  }
0x46: {  	_ =	shalt  }
0x47: {  	_ =	shalt  }
0x48: {  	_ =	shalt  }
0x49: {  	_ =	shalt  }
0x4a: {  	_ =	shalt  }
0x4b: {  	_ =	shalt  }
0x4c: {  	_ =	shalt  }
0x4d: {  	_ =	shalt  }
0x4e: {  	_ =	shalt  }
0x4f: {  	_ =	shalt  }
0x50: {  	_ =	shalt  }
0x51: {  	_ =	shalt  }
0x52: {  	_ =	shalt  }
0x53: {  	_ =	shalt  }
0x54: {  	_ =	shalt  }
0x55: {  	_ =	shalt  }
0x56: {  	_ =	shalt  }
0x57: {  	_ =	shalt  }
0x58: {  	_ =	shalt  }
0x59: {  	_ =	shalt  }
0x5a: {  	_ =	shalt  }
0x5b: {  	_ =	shalt  }
0x5c: {  	_ =	shalt  }
0x5d: {  	_ =	shalt  }
0x5e: {  	_ =	shalt  }
0x5f: {  	_ =	shalt  }
0x60: {  	_ =	shalt  }
0x61: {  	_ =	shalt  }
0x62: {  	_ =	shalt  }
0x63: {  	_ =	shalt  }
0x64: {  	_ =	shalt  }
0x65: {  	_ =	shalt  }
0x66: {  	_ =	shalt  }
0x67: {  	_ =	shalt  }
0x68: {  	_ =	shalt  }
0x69: {  	_ =	shalt  }
0x6a: {  	_ =	shalt  }
0x6b: {  	_ =	shalt  }
0x6c: {  	_ =	shalt  }
0x6d: {  	_ =	shalt  }
0x6e: {  	_ =	shalt  }
0x6f: {  	_ =	shalt  }
0x70: {  	_ =	shalt  }
0x71: {  	_ =	shalt  }
0x72: {  	_ =	shalt  }
0x73: {  	_ =	shalt  }
0x74: {  	_ =	shalt  }
0x75: {  	_ =	shalt  }
0x76: {  	_ =	shalt  }
0x77: {  	_ =	shalt  }
0x78: {  	_ =	shalt  }
0x79: {  	_ =	shalt  }
0x7a: {  	_ =	shalt  }
0x7b: {  	_ =	shalt  }
0x7c: {  	_ =	shalt  }
0x7d: {  	_ =	shalt  }
0x7e: {  	_ =	shalt  }
0x7f: {  	_ =	shalt  }
0x80: {  	_ =	shalt  }
0x81: {  	_ =	shalt  }
0x82: {  	_ =	shalt  }
0x83: {  	_ =	shalt  }
0x84: {  	_ =	shalt  }
0x85: {  	_ =	shalt  }
0x86: {  	_ =	shalt  }
0x87: {  	_ =	shalt  }
.Lfunc_end0:
.L_simem_size_0:
called_computation.1_lowered:
.L_overlay_start_0:
0x88: {  	s2 =	sld [smem:$0x3FD9]  }
0x89: {  	s3 =	sld [smem:$0x3FFE];
	_ =	sdelay $0x1  }
0x8a: {  	s1 =	srdreg.scid  }
0x8b: {  	s0 =	sand.u32 $0x1, s1  }
0x8c: {  	s17 =	sshll.u32 s0, $0xA;
	s2 =	sadd.s32 s3, s2  }
0x8d: {  	s2 =	sadd.s32 s2, s17  }
0x8e: {  	[smem:$0x3FC2] =	sst s2  }
0x8f: {  	_ = 	snop  }
0x90: {  	s2 =	sld [smem:$0x3FD0];
	(tm) =	ssettm $0x1  }
0x91: {  	s18 =	sld [smem:$0x3FFB];
	_ =	sdelay $0x3  }
0x92: {  	_ =	strace s18  }
0x93: {  	s3 =	sld [smem:$0x3FFC];
	_ =	sdelay $0x3  }
0x94: {  	_ =	strace s3  }
0x95: {  	s3 =	sld [smem:$0x3FFD];
	_ =	sdelay $0x3  }
0x96: {  	_ =	strace s3  }
0x97: {  	_ =	strace $0x8FFFFFFF  }
0x98: {  	s19 =	sld [smem:$0x3FDB];
	_ =	sdelay $0x1  }
0x99: {  	s4 =	simm.s32 $_scs_section_size  }
0x9a: {  	s5 =	simm.s32 $_size__tile_overlayer_lowered;
	s6 =	simm.s32 $_tile_overlayer_lowered  }
0x9b: {  	s22 =	simm.s32 $0x1BFF;
	s21 =	sshll.u32 s6, $0x1;
	s3 =	sadd.s32 s4, s19  }
0x9c: {  	s7 =	simm.s32 $0x0;
	s20 =	sshll.u32 s5, $0x1;
	s5 =	sadd.s32 s21, s3  }
0x9d: {  	[timem:s7], [sflag:s22] =	dma.local [hbm:s5], s20  }
0x9e: {  	_ =	swait.ge [sflag:s22], s20  }
0x9f: {  	s4 =	ssub.s32 $0x0, s20;
	[sflag:s22] =	ssyncset.done $0x0  }
0xa0: {  	[sflag:s22] =	ssyncadd.s32 s4;
	_ =	sdelay $0x1  }
0xa1: {  	s23 =	simm.s32 $0x1B8B  }
0xa2: {  	_ =	swait.ge [sflag:s23], $0x1  }
0xa3: {  	[sflag:s23] =	ssyncset.done $0x0  }
0xa4: {  	s25 =	simm.s32 $0x1B8E;
	s24 =	sld [smem:$0x3FFE];
	[sflag:s23] =	ssyncadd.s32 $0xFFFFFFFF  }
0xa5: {  	s26 =	simm.s32 $execute0_lowered;
	[smem:$0x3FD2] =	sst s25  }
0xa6: {  	s5 =	sshll.u32 s26, $0x1;
	_ =	strace $0x80000049;
	[dreg:$0x1] =	wrdreg $0xFFFFFFFF  }
0xa7: {  	s28 =	simm.s32 $_size_execute0_lowered;
	s3 =	sadd.s32 s3, s5;
	[dreg:$0x0] =	wrdreg $0x0  }
0xa8: {  	s5 =	sshll.u32 s28, $0x1;
	[dreg:$0x2] =	wrdreg s3  }
0xa9: {  	[dreg:$0x3] =	wrdreg s5  }
0xaa: {  	[dreg:$0x4] =	wrdreg $0xC0  }
0xab: {  	_ =	task [dreg:s7], $0x5FFFF  }
0xac: {  	[dreg:$0x1] =	wrdreg $0xFFFFFFFF  }
0xad: {  	[dreg:$0x0] =	wrdreg $0x60  }
0xae: {  	[dreg:$0x2] =	wrdreg s24  }
0xaf: {  	[dreg:$0x3] =	wrdreg s2  }
0xb0: {  	[dreg:$0x4] =	wrdreg $0xC0000  }
0xb1: {  	[dreg:$0x5] =	wrdreg $0x9  }
0xb2: {  	_ =	task.clear_ibuf [dreg:s7], $0x6FFFF;
	_ =	strace $0x90000049  }
0xb3: {  	s29 =	simm.s32 $0x9;
	_ =	strace $0x8000004B  }
0xb4: {  	_ =	swait.ge [sflag:s29], $0x1  }
0xb5: {  	[sflag:s29] =	ssyncadd.s32 $0xFFFFFFFF  }
0xb6: {  	_ =	strace $0x9000004B  }
0xb7: {  	_ =	sfence  }
0xb8: {  	s30 =	sld [smem:$0x0];
	_ =	sdelay $0x2  }
0xb9: {  	s31 =	sshll.u32 s1, $0xD;
	s1 =	sshrl.u32 s1, $0x2  }
0xba: {  	s3 =	sand.u32 $0x4000, s31;
	s1 =	sadd.s32 s1, s30  }
0xbb: {  	s0 =	sor.u32 s3, s0;
	s1 =	sshll.u32 s1, $0x11  }
0xbc: {  	s0 =	sor.u32 s1, s0  }
0xbd: {  	s0 =	sadd.s32 $0x8F2B, s0  }
0xbe: {  	[sflag:s0] =	ssyncadd.remote.s32 $0x1  }
0xbf: {  	_ =	sfence.sel $0xFFFF  }
0xc0: {  	[dreg:$0x0] =	wrdreg $0xFFFFFFFF;
	(pc) =	sbr.abs _section_cstart, $3  }
0xc1: {  	[dreg:$0x1] =	wrdreg $0xFFFFFFFF  }
0xc2: {  	_ =	task.clear_ibuf [dreg:s7], $0x2FFFF;
	_ =	strace $0x9FFFFFFF  }
0xc3: {  	(tm) =	ssettm $0x7FFFFFFF  }
tec
execute0_lowered:
.L_overlay_start_1:
0x0: {  	(tag) =	ssettag $0x1  }
0x1: {  	s6 =	rddreg [dreg:$0x0]  }
0x2: {  	s1 =	rddreg [dreg:$0x1]  }
0x3: {  	s2 =	rddreg [dreg:$0x2];
	s3 =	srdreg.scid  }
0x4: {  	s4 =	simm.s32 $0x0;
	s0 =	stileid.u32;
	s17 =	simm.s32 $0x4000  }
0x5: {  	s18 =	simm.s32 $0x1;
	s19 =	simm.s32 $0x80;
	s20 =	simm.s32 $0x8000  }
0x6: {  	s21 =	simm.s32 $0x2;
	s22 =	simm.s32 $0x0;
	s7 =	sand.u32 $0x1, s3  }
0x7: {  	[smem:$0x7FF] =	sst s4;
	s8 =	smul.u32 $0x13C00, s0;
	s11 =	sadd.s32 $0xCC00, s6  }
0x8: {  	s12 =	sadd.s32 $0x2800, s6;
	s10 =	smul.u32 $0x4F000, s0;
	s30 =	sshll.u32 s0, $0x6  }
0x9: {  	s31 =	sshll.u32 s0, $0x5;
	s5 =	smul.u32 $0x13C000, s7;
	_ =	strace $0x8000004A  }
0xa: {  	s9 =	ssub.s32 $0x2, s7;
	p0 =	seq.s32 s7, $0x0;
	s7 =	simm.s32 $0x40  }
0xb: {  	s13 =	sshrl.u32 s9, $0x1;
	s29 =	sshrl.u32 s10, $0x2;
	s10 =	sor.u32 $0x800, s31  }
0xc: {  	s7 =	simm.s32 @!p0 $0x10;
	s8 =	sadd.s32 s8, s5;
	s5 =	sadd.s32 $0x17000, s6  }
0xd: {  	s15 =	ssub.s32 s9, s13;
	s16 =	sadd.s32 s29, s2;
	s9 =	sshll.u32 s0, $0x7  }
0xe: {  	s13 =	sor.u32 $0x810, s31;
	s8 =	sshrl.u32 s8, $0x3;
	s10 =	smov.u32 @p0 s9  }
0xf: {  	s9 =	sor.u32 $0x40, s9;
	s14 =	sadd.s32 s8, s6;
	s10 =	sshll.u32 s10, $0x4  }
0x10: {  	s6 =	sor.u32 $0x1C03, s30;
	s13 =	smov.u32 @p0 s9;
	s8 =	sadd.s32 s11, s10  }
0x11: {  	s9 =	sadd.s32 s12, s10;
	s10 =	sshrl.u32 s7, $0x1;
	s13 =	sshll.u32 s13, $0x4  }
0x12: {  	s11 =	sadd.s32 s11, s13;
	s12 =	sadd.s32 s12, s13;
	s13 =	sadd.s32 $0x19800, s14  }
0x13: {  	s14 =	smax.u32 s15, $0x1;
	s15 =	sshrl.u32 s16, $0x3;
	s16 =	simm.s32 $0x3  }
.LBB2_1:
0x14: {  	[spmem:s15], [sflag:s6] =	dma.local [hbm:s5], $0x2780  }
0x15: {  	_ =	swait.ge [sflag:s16], $0x2780  }
0x16: {  	[sflag:s16] =	ssyncset.done $0x0  }
0x17: {  	[sflag:s16] =	ssyncadd.s32 $0xFFFFD880  }
0x18: {  	[bflag:$0x0] =	sbarrier.arrive $0xFFFF  }
0x19: {  	[tilespmem:s4], [sflag:$0x3] =	stream.linear.gather [hbm4b:s8+s4], $0x2000, $0x38;
	[tilespmem:$0x1FC00] =	vst v63  }
0x1a: {  	_ =	swait.ge [sflag:s16], $0x2000  }
0x1b: {  	[sflag:s16] =	ssyncset.done $0x0  }
0x1c: {  	s23 =	simm.s32 $0x2000;
	[sflag:s16] =	ssyncadd.s32 $0xFFFFE000  }
0x1d: {  	[tilespmem:s23], [sflag:$0x3] =	stream.linear.gather [hbm4b:s9+s4], $0x2000, $0x38;
	[tilespmem:$0x1FC00] =	vst v63  }
0x1e: {  	_ =	swait.ge [sflag:s16], $0x2000  }
0x1f: {  	[sflag:s16] =	ssyncset.done $0x0  }
0x20: {  	[sflag:s16] =	ssyncadd.s32 $0xFFFFE000  }
0x21: {  	[tilespmem:s17], [sflag:$0x1] =	stream.indirect.gather [hbm4b:s1+s19], $0x80, s4, s19, $0xb8;
	[tilespmem:$0x1FC00] =	vst v63  }
0x22: {  	_ =	swait.ge [sflag:s18], $0x4000  }
0x23: {  	[sflag:s18] =	ssyncset.done $0x0  }
0x24: {  	[sflag:s18] =	ssyncadd.s32 $0xFFFFC000  }
0x25: {  	[tilespmem:s20], [sflag:$0x2] =	stream.indirect.gather [hbm4b:s1+s19], $0x80, s19, s19, $0xb8;
	[tilespmem:$0x1FC00] =	vst v63  }
0x26: {  	_ = 	snop  }
0x27: {  	[spmem:s2] =	stream.indirect.scatter.add.f32 [tilespmem:s17], [sflag:$0x3], $0x80, s23, s19, $0xb8;
	[tilespmem:$0x1FC00] =	vst v63  }
0x28: {  	_ =	swait.ge [sflag:s16], $0x4000  }
0x29: {  	[sflag:s16] =	ssyncset.done $0x0  }
0x2a: {  	[sflag:s16] =	ssyncadd.s32 $0xFFFFC000  }
0x2b: {  	p0 =	sle.u32 s7, $0x2;
	_ =	swait.ge [sflag:s21], $0x4000  }
0x2c: {  	s24 =	simm.s32 @!p0 $0x100;
	[sflag:s21] =	ssyncset.done $0x0  }
0x2d: {  	s25 =	simm.s32 @!p0 $0x80;
	s26 =	simm.s32 @!p0 $0x4000;
	[sflag:s21] =	ssyncadd.s32 $0xFFFFC000  }
0x2e: {  	[tilespmem:s26], [sflag:$0x1] =	stream.indirect.gather @!p0 [hbm4b:s1+s25], $0x80, s24, s25, $0xb8;
	[tilespmem:$0x1FC00] =	vst v63  }
0x2f: {  	s25 =	sadd.s32 $0xFFFFFFFF, s10  }
0x30: {  	p0 =	sne.s32 s25, $0x0  }
.Ltmp0:
0x31: {  	_ = 	snop;
	(pc) =	sbr.rel @!p0 .LBB2_3-.Ltmp0, $4  }
0x32: {  	_ = 	snop  }
0x33: {  	s28 =	simm.s32 $0x4;
	s24 =	simm.s32 $0x2080  }
0x34: {  	[spmem:s2] =	stream.indirect.scatter.add.f32 [tilespmem:s20], [sflag:$0x3], $0x80, s24, s19, $0xb8;
	[tilespmem:$0x1FC00] =	vst v63  }
0x35: {  	s29 =	simm.s32 $0x2000;
	s26 =	simm.s32 $0x180;
	_ =	swait.ge [sflag:s16], $0x4000  }
.LBB2_2:
0x36: {  	s25 =	sadd.s32 $0xFFFFFFFF, s25;
	[sflag:s16] =	ssyncset.done $0x0;
	s29 =	sadd.s32 $0x100, s29  }
0x37: {  	p0 =	sne.s32 s25, $0x0;
	[sflag:s16] =	ssyncadd.s32 $0xFFFFC000  }
0x38: {  	_ =	swait.ge [sflag:s18], $0x4000  }
0x39: {  	[sflag:s18] =	ssyncset.done $0x0  }
0x3a: {  	[sflag:s18] =	ssyncadd.s32 $0xFFFFC000  }
0x3b: {  	[tilespmem:s20], [sflag:$0x2] =	stream.indirect.gather [hbm4b:s1+s19], $0x80, s26, s19, $0xb8;
	[tilespmem:$0x1FC00] =	vst v63  }
0x3c: {  	_ = 	snop  }
0x3d: {  	[spmem:s2] =	stream.indirect.scatter.add.f32 [tilespmem:s17], [sflag:$0x3], $0x80, s29, s19, $0xb8;
	[tilespmem:$0x1FC00] =	vst v63  }
0x3e: {  	_ =	swait.ge [sflag:s16], $0x4000  }
0x3f: {  	[sflag:s16] =	ssyncset.done $0x0  }
0x40: {  	[sflag:s16] =	ssyncadd.s32 $0xFFFFC000  }
0x41: {  	_ =	swait.ge [sflag:s21], $0x4000  }
0x42: {  	p1 =	sge.u32 s28, s7;
	[sflag:s21] =	ssyncset.done $0x0  }
0x43: {  	s30 =	sadd.s32 @!p1 $0x80, s26;
	s31 =	simm.s32 @!p1 $0x80;
	[sflag:s21] =	ssyncadd.s32 $0xFFFFC000  }
.Ltmp1:
0x44: {  	s0 =	simm.s32 @!p1 $0x4000;
	s3 =	sadd.s32 $0x80, s29;
	(pc) =	sbr.rel @p0 .LBB2_2-.Ltmp1, $4  }
0x45: {  	[tilespmem:s0], [sflag:$0x1] =	stream.indirect.gather @!p1 [hbm4b:s1+s31], $0x80, s30, s31, $0xb8;
	[tilespmem:$0x1FC00] =	vst v63  }
0x46: {  	_ = 	snop  }
0x47: {  	[spmem:s2] =	stream.indirect.scatter.add.f32 [tilespmem:s20], [sflag:$0x3], $0x80, s3, s19, $0xb8;
	[tilespmem:$0x1FC00] =	vst v63  }
0x48: {  	s28 =	sadd.s32 $0x2, s28;
	s26 =	sadd.s32 $0x100, s26;
	_ =	swait.ge [sflag:s16], $0x4000  }
.LBB2_3:
0x49: {  	[sflag:s16] =	ssyncset.done $0x0  }
0x4a: {  	[sflag:s16] =	ssyncadd.s32 $0xFFFFC000  }
0x4b: {  	[tilespmem:s4], [sflag:$0x3] =	stream.linear.gather [hbm4b:s11+s4], $0x2000, $0x38;
	[tilespmem:$0x1FC00] =	vst v63  }
0x4c: {  	_ =	swait.ge [sflag:s16], $0x2000  }
0x4d: {  	[sflag:s16] =	ssyncset.done $0x0  }
0x4e: {  	[sflag:s16] =	ssyncadd.s32 $0xFFFFE000  }
0x4f: {  	[tilespmem:s23], [sflag:$0x3] =	stream.linear.gather [hbm4b:s12+s4], $0x2000, $0x38;
	[tilespmem:$0x1FC00] =	vst v63  }
0x50: {  	_ =	swait.ge [sflag:s16], $0x2000  }
0x51: {  	[sflag:s16] =	ssyncset.done $0x0  }
0x52: {  	s0 =	simm.s32 $0x80;
	[sflag:s16] =	ssyncadd.s32 $0xFFFFE000  }
0x53: {  	[tilespmem:s17], [sflag:$0x1] =	stream.indirect.gather [hbm4b:s1+s0], $0x80, s4, s0, $0xb8;
	[tilespmem:$0x1FC00] =	vst v63  }
0x54: {  	_ =	swait.ge [sflag:s18], $0x4000  }
0x55: {  	[sflag:s18] =	ssyncset.done $0x0  }
0x56: {  	[sflag:s18] =	ssyncadd.s32 $0xFFFFC000  }
0x57: {  	[tilespmem:s20], [sflag:$0x2] =	stream.indirect.gather [hbm4b:s1+s19], $0x80, s0, s19, $0xb8;
	[tilespmem:$0x1FC00] =	vst v63  }
0x58: {  	_ = 	snop  }
0x59: {  	[spmem:s2] =	stream.indirect.scatter.add.f32 [tilespmem:s17], [sflag:$0x3], $0x80, s23, s19, $0xb8;
	[tilespmem:$0x1FC00] =	vst v63  }
0x5a: {  	_ =	swait.ge [sflag:s16], $0x4000  }
0x5b: {  	[sflag:s16] =	ssyncset.done $0x0  }
0x5c: {  	[sflag:s16] =	ssyncadd.s32 $0xFFFFC000  }
0x5d: {  	p0 =	sle.u32 s7, $0x2;
	_ =	swait.ge [sflag:s21], $0x4000  }
0x5e: {  	s3 =	simm.s32 @!p0 $0x80;
	[sflag:s21] =	ssyncset.done $0x0  }
0x5f: {  	s25 =	simm.s32 @!p0 $0x4000;
	s0 =	simm.s32 @!p0 $0x100;
	[sflag:s21] =	ssyncadd.s32 $0xFFFFC000  }
0x60: {  	[tilespmem:s25], [sflag:$0x1] =	stream.indirect.gather @!p0 [hbm4b:s1+s3], $0x80, s0, s3, $0xb8;
	[tilespmem:$0x1FC00] =	vst v63  }
0x61: {  	s25 =	sadd.s32 $0xFFFFFFFF, s10  }
0x62: {  	p0 =	sne.s32 s25, $0x0  }
.Ltmp2:
0x63: {  	_ = 	snop;
	(pc) =	sbr.rel @!p0 .LBB2_5-.Ltmp2, $3  }
0x64: {  	_ =	sdelay $0x1  }
0x65: {  	[spmem:s2] =	stream.indirect.scatter.add.f32 [tilespmem:s20], [sflag:$0x3], $0x80, s24, s19, $0xb8;
	[tilespmem:$0x1FC00] =	vst v63  }
0x66: {  	s26 =	simm.s32 $0x4;
	s24 =	simm.s32 $0x180;
	_ =	swait.ge [sflag:s16], $0x4000  }
.LBB2_4:
0x67: {  	s25 =	sadd.s32 $0xFFFFFFFF, s25;
	[sflag:s16] =	ssyncset.done $0x0;
	s23 =	sadd.s32 $0x100, s23  }
0x68: {  	p0 =	sne.s32 s25, $0x0;
	[sflag:s16] =	ssyncadd.s32 $0xFFFFC000  }
0x69: {  	_ =	swait.ge [sflag:s18], $0x4000  }
0x6a: {  	[sflag:s18] =	ssyncset.done $0x0  }
0x6b: {  	[sflag:s18] =	ssyncadd.s32 $0xFFFFC000  }
0x6c: {  	[tilespmem:s20], [sflag:$0x2] =	stream.indirect.gather [hbm4b:s1+s19], $0x80, s24, s19, $0xb8;
	[tilespmem:$0x1FC00] =	vst v63  }
0x6d: {  	_ = 	snop  }
0x6e: {  	[spmem:s2] =	stream.indirect.scatter.add.f32 [tilespmem:s17], [sflag:$0x3], $0x80, s23, s19, $0xb8;
	[tilespmem:$0x1FC00] =	vst v63  }
0x6f: {  	_ =	swait.ge [sflag:s16], $0x4000  }
0x70: {  	[sflag:s16] =	ssyncset.done $0x0  }
0x71: {  	[sflag:s16] =	ssyncadd.s32 $0xFFFFC000  }
0x72: {  	_ =	swait.ge [sflag:s21], $0x4000  }
0x73: {  	p1 =	sge.u32 s26, s7;
	[sflag:s21] =	ssyncset.done $0x0  }
0x74: {  	s0 =	sadd.s32 @!p1 $0x80, s24;
	s3 =	simm.s32 @!p1 $0x80;
	[sflag:s21] =	ssyncadd.s32 $0xFFFFC000  }
.Ltmp3:
0x75: {  	s28 =	simm.s32 @!p1 $0x4000;
	s29 =	sadd.s32 $0x80, s23;
	(pc) =	sbr.rel @p0 .LBB2_4-.Ltmp3, $4  }
0x76: {  	[tilespmem:s28], [sflag:$0x1] =	stream.indirect.gather @!p1 [hbm4b:s1+s3], $0x80, s0, s3, $0xb8;
	[tilespmem:$0x1FC00] =	vst v63  }
0x77: {  	_ = 	snop  }
0x78: {  	[spmem:s2] =	stream.indirect.scatter.add.f32 [tilespmem:s20], [sflag:$0x3], $0x80, s29, s19, $0xb8;
	[tilespmem:$0x1FC00] =	vst v63  }
0x79: {  	s26 =	sadd.s32 $0x2, s26;
	s24 =	sadd.s32 $0x100, s24;
	_ =	swait.ge [sflag:s16], $0x4000  }
.LBB2_5:
0x7a: {  	[sflag:s16] =	ssyncset.done $0x0;
	s22 =	sadd.s32 $0x1, s22  }
0x7b: {  	[sflag:s16] =	ssyncadd.s32 $0xFFFFC000;
	p0 =	sne.s32 s22, s14  }
.Ltmp4:
0x7c: {  	[bflag:$0x0] =	sbarrier.arrive $0xFFFF;
	(pc) =	sbr.rel @p0 .LBB2_1-.Ltmp4, $4  }
0x7d: {  	[hbm:s13], [sflag:s6] =	dma.local [spmem:s15], $0x2780  }
0x7e: {  	_ =	swait.ge [sflag:s16], $0x2780  }
0x7f: {  	[sflag:s16] =	ssyncset.done $0x0  }
0x80: {  	[sflag:s16] =	ssyncadd.s32 $0xFFFFD880  }
0x81: {  	_ =	sfence.sel $0x180000  }
0x82: {  	[bflag:$0x0] =	sbarrier.arrive $0xFFFF  }
0x83: {  	_ =	strace $0x9000004A  }
0x84: {  	s0 =	stileid.u32;
	[bflag:$0x2] =	sbarrier.arrive $0xFFFF  }
0x85: {  	p0 =	sne.s32 s0, $0x0;
	s0 =	rddreg [dreg:$0x3]  }
0x86: {  	s0 =	sadd.s32 @!p0 $0x100000, s0  }
0x87: {  	[sflag:s0] =	ssyncadd.tile.s32 @!p0 $0x1;
	_ =	shalt  }
.Lfunc_end2:
_tile_overlayer_lowered:
.L_overlay_start_2:
0x88: {  	(tag) =	ssettag $0x2  }
0x89: {  	s0 =	rddreg [dreg:$0x0];
	s2 =	stileid.u32  }
0x8a: {  	s1 =	rddreg [dreg:$0x1];
	p0 =	sne.s32 s2, $0x0  }
0x8b: {  	s3 =	rddreg [dreg:$0x2];
	[bflag:$0x3] =	sbarrier.arrive $0xFFFF;
	s2 =	simm.s32 @!p0 $0x1C03  }
0x8c: {  	[timem:s3], [sflag:s2] =	dma.local @!p0 [hbm:s0], s1  }
0x8d: {  	s0 =	simm.s32 @!p0 $0x3  }
0x8e: {  	_ =	swait.ge @!p0 [sflag:s0], s1  }
0x8f: {  	s1 =	ssub.s32 @!p0 $0x0, s1;
	[sflag:s0] =	ssyncset.done @!p0 $0x0  }
0x90: {  	[sflag:s0] =	ssyncadd.s32 @!p0 s1  }
0x91: {  	[bflag:$0x3] =	sbarrier.arrive $0xFFFF  }
0x92: {  	_ =	shalt  }

// kernel: kernel.14.cloned.1.call-start
scs
__scs_entry_jumppad:
0x0: {  	(pc) =	sbr.rel $0x88, $3  }
0x1: {  	(tag) =	ssettag $0x0;
	lr =	simm.s32 $0x1  }
0x2: {  	[smem:$0x3F9B] =	sst lr;
	_ =	strace $0xD0000000  }
0x3: {  	_ = 	snop  }
0x4: {  	_ = 	snop  }
0x5: {  	_ = 	snop  }
0x6: {  	_ = 	snop  }
0x7: {  	_ = 	snop  }
__scs_overlays_trampoline_lowered:
0x8: {  	[smem:$0x3FAA] =	sst s0  }
0x9: {  	[smem:$0x3FAB] =	sst s1  }
0xa: {  	[smem:$0x3FAC] =	sst s2  }
0xb: {  	[smem:$0x3FAD] =	sst s3  }
0xc: {  	[smem:$0x3FAE] =	sst s4  }
0xd: {  	[smem:$0x3FAF] =	sst s5  }
0xe: {  	[smem:$0x3FB0] =	sst s6  }
0xf: {  	[smem:$0x3FB1] =	sst s7  }
0x10: {  	[smem:$0x3FB2] =	sst s8  }
0x11: {  	[smem:$0x3FB3] =	sst s9;
	s0 =	simm.s32 @!p0 $0x0  }
0x12: {  	s1 =	sld [smem:$0x3F99];
	s0 =	simm.s32 @p0 $0x1  }
0x13: {  	[smem:$0x3FB4] =	sst s0;
	s0 =	simm.s32 @!p1 $0x0  }
0x14: {  	s2 =	sld [smem:$0x3F98];
	s0 =	simm.s32 @p1 $0x1  }
0x15: {  	[smem:$0x3FB5] =	sst s0;
	s0 =	simm.s32 @!p2 $0x0  }
0x16: {  	s3 =	sld [smem:$0x3FDB];
	s0 =	simm.s32 @p2 $0x1  }
0x17: {  	s4 =	simm.s32 $0x1BF5;
	[smem:$0x3FB7] =	sst s0  }
0x18: {  	s0 =	sld [smem:$0x3F9A];
	_ =	swait.ge [sflag:s4], $0x0  }
0x19: {  	s7 =	sld [smem:$0x3F9B]  }
0x1a: {  	s8 =	sadd.s32 $0xFFFFE003, lr  }
0x1b: {  	s9 =	sadd.s32 $0xFFFFFEF7, lr;
	s5 =	simm.s32 $0xFFFFFFFF;
	p2 =	slt.u32 s8, $0xFFFFF086  }
0x1c: {  	p1 =	slt.u32 s9, $0xF7A;
	s5 =	simm.s32 @!p2 $0x0  }
0x1d: {  	s5 =	simm.s32 @p1 $0x1;
	p0 =	seq.s32 s7, s2  }
0x1e: {  	s7 =	smul.u32 @!p0 $0xF7A, s2;
	p2 =	seq.s32 @!p0 s5, $0x0  }
0x1f: {  	s9 =	smul.u32 $0xF7A, s1;
	s8 =	simm.s32 @!p0 $0x1BF5;
	p2 =	por !p2, p0  }
0x20: {  	[sflag:s8] =	ssyncset.s32 @!p0 $0xFFFFF086;
	s6 =	sadd.s32 @!p0 s3, s7;
	s7 =	simm.s32 @!p0 $0x108  }
0x21: {  	s3 =	sadd.s32 s3, s9;
	s6 =	sadd.s32 @!p0 $0x88, s6;
	s7 =	simm.s32 @p2 $0x1082  }
0x22: {  	[simem:s7], [sflag:s8] =	dma.local @!p0 [hbm:s6], $0xF7A  }
0x23: {  	s9 =	sor.u32 $0xD0000000, s2;
	s6 =	simm.s32 $0x108;
	_ =	swait.ge @!p0 [sflag:s8], $0x0  }
0x24: {  	s3 =	sadd.s32 $0x88, s3;
	s6 =	simm.s32 @!p1 $0x1082;
	[sflag:s4] =	ssyncset.s32 $0xFFFFF086  }
0x25: {  	[simem:s6], [sflag:s4] =	dma.local [hbm:s3], $0xF7A  }
0x26: {  	[smem:$0x3F9B] =	sst s1;
	(tag) =	ssettag s2;
	_ =	strace s9  }
0x27: {  	s1 =	sld [smem:$0x3FAB]  }
0x28: {  	s2 =	sld [smem:$0x3FAC]  }
0x29: {  	s4 =	sld [smem:$0x3FAE]  }
0x2a: {  	p0 =	seq.s32 s5, $0x0;
	s5 =	sld [smem:$0x3FAF]  }
0x2b: {  	s6 =	sld [smem:$0x3FB0]  }
0x2c: {  	s7 =	sld [smem:$0x3FB1]  }
0x2d: {  	s3 =	simm.s32 $0x108;
	s8 =	sld [smem:$0x3FB2]  }
0x2e: {  	s3 =	simm.s32 @!p0 $0x1082;
	s9 =	sld [smem:$0x3FB3]  }
0x2f: {  	lr =	sadd.s32 s0, s3;
	s0 =	sld [smem:$0x3FAA]  }
0x30: {  	s3 =	sld [smem:$0x3FAD]  }
0x31: {  	[smem:$0x3FB6] =	sst s10  }
0x32: {  	s10 =	sld [smem:$0x3FB4];
	_ =	sdelay $0x3  }
0x33: {  	p0 =	seq.s32 s10, $0x1;
	s10 =	sld [smem:$0x3FB6];
	_ =	sdelay $0x3  }
0x34: {  	[smem:$0x3FB6] =	sst s10  }
0x35: {  	s10 =	sld [smem:$0x3FB5];
	_ =	sdelay $0x3  }
0x36: {  	p1 =	seq.s32 s10, $0x1;
	s10 =	sld [smem:$0x3FB6];
	_ =	sdelay $0x3  }
0x37: {  	[smem:$0x3FB6] =	sst s10  }
0x38: {  	s10 =	sld [smem:$0x3FB7]  }
0x39: {  	_ = 	snop;
	(pc) =	sbr.ind lr, $3  }
0x3a: {  	_ = 	snop  }
0x3b: {  	_ = 	snop  }
0x3c: {  	p2 =	seq.s32 s10, $0x1;
	s10 =	sld [smem:$0x3FB6]  }
0x3d: {  	_ =	shalt  }
0x3e: {  	_ =	shalt  }
0x3f: {  	_ =	shalt  }
0x40: {  	_ =	shalt  }
0x41: {  	_ =	shalt  }
0x42: {  	_ =	shalt  }
0x43: {  	_ =	shalt  }
0x44: {  	_ =	shalt  }
0x45: {  	_ =	shalt  }
0x46: {  	_ =	shalt  }
0x47: {  	_ =	shalt  }
0x48: {  	_ =	shalt  }
0x49: {  	_ =	shalt  }
0x4a: {  	_ =	shalt  }
0x4b: {  	_ =	shalt  }
0x4c: {  	_ =	shalt  }
0x4d: {  	_ =	shalt  }
0x4e: {  	_ =	shalt  }
0x4f: {  	_ =	shalt  }
0x50: {  	_ =	shalt  }
0x51: {  	_ =	shalt  }
0x52: {  	_ =	shalt  }
0x53: {  	_ =	shalt  }
0x54: {  	_ =	shalt  }
0x55: {  	_ =	shalt  }
0x56: {  	_ =	shalt  }
0x57: {  	_ =	shalt  }
0x58: {  	_ =	shalt  }
0x59: {  	_ =	shalt  }
0x5a: {  	_ =	shalt  }
0x5b: {  	_ =	shalt  }
0x5c: {  	_ =	shalt  }
0x5d: {  	_ =	shalt  }
0x5e: {  	_ =	shalt  }
0x5f: {  	_ =	shalt  }
0x60: {  	_ =	shalt  }
0x61: {  	_ =	shalt  }
0x62: {  	_ =	shalt  }
0x63: {  	_ =	shalt  }
0x64: {  	_ =	shalt  }
0x65: {  	_ =	shalt  }
0x66: {  	_ =	shalt  }
0x67: {  	_ =	shalt  }
0x68: {  	_ =	shalt  }
0x69: {  	_ =	shalt  }
0x6a: {  	_ =	shalt  }
0x6b: {  	_ =	shalt  }
0x6c: {  	_ =	shalt  }
0x6d: {  	_ =	shalt  }
0x6e: {  	_ =	shalt  }
0x6f: {  	_ =	shalt  }
0x70: {  	_ =	shalt  }
0x71: {  	_ =	shalt  }
0x72: {  	_ =	shalt  }
0x73: {  	_ =	shalt  }
0x74: {  	_ =	shalt  }
0x75: {  	_ =	shalt  }
0x76: {  	_ =	shalt  }
0x77: {  	_ =	shalt  }
0x78: {  	_ =	shalt  }
0x79: {  	_ =	shalt  }
0x7a: {  	_ =	shalt  }
0x7b: {  	_ =	shalt  }
0x7c: {  	_ =	shalt  }
0x7d: {  	_ =	shalt  }
0x7e: {  	_ =	shalt  }
0x7f: {  	_ =	shalt  }
0x80: {  	_ =	shalt  }
0x81: {  	_ =	shalt  }
0x82: {  	_ =	shalt  }
0x83: {  	_ =	shalt  }
0x84: {  	_ =	shalt  }
0x85: {  	_ =	shalt  }
0x86: {  	_ =	shalt  }
0x87: {  	_ =	shalt  }
.Lfunc_end0:
.L_simem_size_0:
called_computation.2_lowered:
.L_overlay_start_0:
0x88: {  	s2 =	sld [smem:$0x3FD9]  }
0x89: {  	s3 =	sld [smem:$0x3FFE];
	_ =	sdelay $0x1  }
0x8a: {  	s1 =	srdreg.scid  }
0x8b: {  	s0 =	sand.u32 $0x1, s1  }
0x8c: {  	s17 =	sshll.u32 s0, $0xA;
	s2 =	sadd.s32 s3, s2  }
0x8d: {  	s2 =	sadd.s32 s2, s17  }
0x8e: {  	[smem:$0x3FC2] =	sst s2  }
0x8f: {  	_ = 	snop  }
0x90: {  	s2 =	sld [smem:$0x3FD0];
	(tm) =	ssettm $0x1  }
0x91: {  	s18 =	sld [smem:$0x3FFB];
	_ =	sdelay $0x3  }
0x92: {  	_ =	strace s18  }
0x93: {  	s3 =	sld [smem:$0x3FFC];
	_ =	sdelay $0x3  }
0x94: {  	_ =	strace s3  }
0x95: {  	s3 =	sld [smem:$0x3FFD];
	_ =	sdelay $0x3  }
0x96: {  	_ =	strace s3  }
0x97: {  	_ =	strace $0x8FFFFFFF  }
0x98: {  	s19 =	sld [smem:$0x3FDB];
	_ =	sdelay $0x1  }
0x99: {  	s4 =	simm.s32 $_scs_section_size  }
0x9a: {  	s5 =	simm.s32 $_size__tile_overlayer_lowered;
	s6 =	simm.s32 $_tile_overlayer_lowered  }
0x9b: {  	s22 =	simm.s32 $0x1BFF;
	s21 =	sshll.u32 s6, $0x1;
	s3 =	sadd.s32 s4, s19  }
0x9c: {  	s7 =	simm.s32 $0x0;
	s20 =	sshll.u32 s5, $0x1;
	s5 =	sadd.s32 s21, s3  }
0x9d: {  	[timem:s7], [sflag:s22] =	dma.local [hbm:s5], s20  }
0x9e: {  	_ =	swait.ge [sflag:s22], s20  }
0x9f: {  	s4 =	ssub.s32 $0x0, s20;
	[sflag:s22] =	ssyncset.done $0x0  }
0xa0: {  	[sflag:s22] =	ssyncadd.s32 s4;
	_ =	sdelay $0x1  }
0xa1: {  	s23 =	simm.s32 $0x1B8B  }
0xa2: {  	_ =	swait.ge [sflag:s23], $0x1  }
0xa3: {  	[sflag:s23] =	ssyncset.done $0x0  }
0xa4: {  	s25 =	simm.s32 $0x1B8E;
	s24 =	sld [smem:$0x3FFE];
	[sflag:s23] =	ssyncadd.s32 $0xFFFFFFFF  }
0xa5: {  	s26 =	simm.s32 $execute0_lowered;
	[smem:$0x3FD2] =	sst s25  }
0xa6: {  	s5 =	sshll.u32 s26, $0x1;
	_ =	strace $0x8000004C;
	[dreg:$0x1] =	wrdreg $0xFFFFFFFF  }
0xa7: {  	s28 =	simm.s32 $_size_execute0_lowered;
	s3 =	sadd.s32 s3, s5;
	[dreg:$0x0] =	wrdreg $0x0  }
0xa8: {  	s5 =	sshll.u32 s28, $0x1;
	[dreg:$0x2] =	wrdreg s3  }
0xa9: {  	[dreg:$0x3] =	wrdreg s5  }
0xaa: {  	[dreg:$0x4] =	wrdreg $0xC0  }
0xab: {  	_ =	task [dreg:s7], $0x5FFFF  }
0xac: {  	[dreg:$0x1] =	wrdreg $0xFFFFFFFF  }
0xad: {  	[dreg:$0x0] =	wrdreg $0x60  }
0xae: {  	[dreg:$0x2] =	wrdreg s24  }
0xaf: {  	[dreg:$0x3] =	wrdreg s2  }
0xb0: {  	[dreg:$0x4] =	wrdreg $0xC0000  }
0xb1: {  	[dreg:$0x5] =	wrdreg $0x9  }
0xb2: {  	_ =	task.clear_ibuf [dreg:s7], $0x6FFFF;
	_ =	strace $0x9000004C  }
0xb3: {  	s29 =	simm.s32 $0x9;
	_ =	strace $0x8000004E  }
0xb4: {  	_ =	swait.ge [sflag:s29], $0x1  }
0xb5: {  	[sflag:s29] =	ssyncadd.s32 $0xFFFFFFFF  }
0xb6: {  	_ =	strace $0x9000004E  }
0xb7: {  	_ =	sfence  }
0xb8: {  	s30 =	sld [smem:$0x0];
	_ =	sdelay $0x2  }
0xb9: {  	s31 =	sshll.u32 s1, $0xD;
	s1 =	sshrl.u32 s1, $0x2  }
0xba: {  	s3 =	sand.u32 $0x4000, s31;
	s1 =	sadd.s32 s1, s30  }
0xbb: {  	s0 =	sor.u32 s3, s0;
	s1 =	sshll.u32 s1, $0x11  }
0xbc: {  	s0 =	sor.u32 s1, s0  }
0xbd: {  	s0 =	sadd.s32 $0x8F2B, s0  }
0xbe: {  	[sflag:s0] =	ssyncadd.remote.s32 $0x1  }
0xbf: {  	_ =	sfence.sel $0xFFFF  }
0xc0: {  	[dreg:$0x0] =	wrdreg $0xFFFFFFFF;
	(pc) =	sbr.abs _section_cstart, $3  }
0xc1: {  	[dreg:$0x1] =	wrdreg $0xFFFFFFFF  }
0xc2: {  	_ =	task.clear_ibuf [dreg:s7], $0x2FFFF;
	_ =	strace $0x9FFFFFFF  }
0xc3: {  	(tm) =	ssettm $0x7FFFFFFF  }
tec
execute0_lowered:
.L_overlay_start_1:
0x0: {  	(tag) =	ssettag $0x1  }
0x1: {  	s6 =	rddreg [dreg:$0x0]  }
0x2: {  	s1 =	rddreg [dreg:$0x1]  }
0x3: {  	s2 =	rddreg [dreg:$0x2];
	s3 =	srdreg.scid  }
0x4: {  	s4 =	simm.s32 $0x0;
	s0 =	stileid.u32;
	s17 =	simm.s32 $0x4000  }
0x5: {  	s18 =	simm.s32 $0x1;
	s19 =	simm.s32 $0x80;
	s20 =	simm.s32 $0x8000  }
0x6: {  	s21 =	simm.s32 $0x2;
	s22 =	simm.s32 $0x0;
	s7 =	sand.u32 $0x1, s3  }
0x7: {  	[smem:$0x7FF] =	sst s4;
	s8 =	smul.u32 $0x13C00, s0;
	s11 =	sadd.s32 $0xCC00, s6  }
0x8: {  	s12 =	sadd.s32 $0x2800, s6;
	s10 =	smul.u32 $0x4F000, s0;
	s30 =	sshll.u32 s0, $0x6  }
0x9: {  	s31 =	sshll.u32 s0, $0x5;
	s5 =	smul.u32 $0x13C000, s7;
	_ =	strace $0x8000004D  }
0xa: {  	s9 =	ssub.s32 $0x2, s7;
	p0 =	seq.s32 s7, $0x0;
	s7 =	simm.s32 $0x40  }
0xb: {  	s13 =	sshrl.u32 s9, $0x1;
	s29 =	sshrl.u32 s10, $0x2;
	s10 =	sor.u32 $0x800, s31  }
0xc: {  	s7 =	simm.s32 @!p0 $0x10;
	s8 =	sadd.s32 s8, s5;
	s5 =	sadd.s32 $0x17000, s6  }
0xd: {  	s15 =	ssub.s32 s9, s13;
	s16 =	sadd.s32 s29, s2;
	s9 =	sshll.u32 s0, $0x7  }
0xe: {  	s13 =	sor.u32 $0x810, s31;
	s8 =	sshrl.u32 s8, $0x3;
	s10 =	smov.u32 @p0 s9  }
0xf: {  	s9 =	sor.u32 $0x40, s9;
	s14 =	sadd.s32 s8, s6;
	s10 =	sshll.u32 s10, $0x4  }
0x10: {  	s6 =	sor.u32 $0x1C03, s30;
	s13 =	smov.u32 @p0 s9;
	s8 =	sadd.s32 s11, s10  }
0x11: {  	s9 =	sadd.s32 s12, s10;
	s10 =	sshrl.u32 s7, $0x1;
	s13 =	sshll.u32 s13, $0x4  }
0x12: {  	s11 =	sadd.s32 s11, s13;
	s12 =	sadd.s32 s12, s13;
	s13 =	sadd.s32 $0x19800, s14  }
0x13: {  	s14 =	smax.u32 s15, $0x1;
	s15 =	sshrl.u32 s16, $0x3;
	s16 =	simm.s32 $0x3  }
.LBB2_1:
0x14: {  	[spmem:s15], [sflag:s6] =	dma.local [hbm:s5], $0x2780  }
0x15: {  	_ =	swait.ge [sflag:s16], $0x2780  }
0x16: {  	[sflag:s16] =	ssyncset.done $0x0  }
0x17: {  	[sflag:s16] =	ssyncadd.s32 $0xFFFFD880  }
0x18: {  	[bflag:$0x0] =	sbarrier.arrive $0xFFFF  }
0x19: {  	[tilespmem:s4], [sflag:$0x3] =	stream.linear.gather [hbm4b:s8+s4], $0x2000, $0x38;
	[tilespmem:$0x1FC00] =	vst v63  }
0x1a: {  	_ =	swait.ge [sflag:s16], $0x2000  }
0x1b: {  	[sflag:s16] =	ssyncset.done $0x0  }
0x1c: {  	s23 =	simm.s32 $0x2000;
	[sflag:s16] =	ssyncadd.s32 $0xFFFFE000  }
0x1d: {  	[tilespmem:s23], [sflag:$0x3] =	stream.linear.gather [hbm4b:s9+s4], $0x2000, $0x38;
	[tilespmem:$0x1FC00] =	vst v63  }
0x1e: {  	_ =	swait.ge [sflag:s16], $0x2000  }
0x1f: {  	[sflag:s16] =	ssyncset.done $0x0  }
0x20: {  	[sflag:s16] =	ssyncadd.s32 $0xFFFFE000  }
0x21: {  	[tilespmem:s17], [sflag:$0x1] =	stream.indirect.gather [hbm4b:s1+s19], $0x80, s4, s19, $0xb8;
	[tilespmem:$0x1FC00] =	vst v63  }
0x22: {  	_ =	swait.ge [sflag:s18], $0x4000  }
0x23: {  	[sflag:s18] =	ssyncset.done $0x0  }
0x24: {  	[sflag:s18] =	ssyncadd.s32 $0xFFFFC000  }
0x25: {  	[tilespmem:s20], [sflag:$0x2] =	stream.indirect.gather [hbm4b:s1+s19], $0x80, s19, s19, $0xb8;
	[tilespmem:$0x1FC00] =	vst v63  }
0x26: {  	_ = 	snop  }
0x27: {  	[spmem:s2] =	stream.indirect.scatter.add.f32 [tilespmem:s17], [sflag:$0x3], $0x80, s23, s19, $0xb8;
	[tilespmem:$0x1FC00] =	vst v63  }
0x28: {  	_ =	swait.ge [sflag:s16], $0x4000  }
0x29: {  	[sflag:s16] =	ssyncset.done $0x0  }
0x2a: {  	[sflag:s16] =	ssyncadd.s32 $0xFFFFC000  }
0x2b: {  	p0 =	sle.u32 s7, $0x2;
	_ =	swait.ge [sflag:s21], $0x4000  }
0x2c: {  	s24 =	simm.s32 @!p0 $0x100;
	[sflag:s21] =	ssyncset.done $0x0  }
0x2d: {  	s25 =	simm.s32 @!p0 $0x80;
	s26 =	simm.s32 @!p0 $0x4000;
	[sflag:s21] =	ssyncadd.s32 $0xFFFFC000  }
0x2e: {  	[tilespmem:s26], [sflag:$0x1] =	stream.indirect.gather @!p0 [hbm4b:s1+s25], $0x80, s24, s25, $0xb8;
	[tilespmem:$0x1FC00] =	vst v63  }
0x2f: {  	s25 =	sadd.s32 $0xFFFFFFFF, s10  }
0x30: {  	p0 =	sne.s32 s25, $0x0  }
.Ltmp0:
0x31: {  	_ = 	snop;
	(pc) =	sbr.rel @!p0 .LBB2_3-.Ltmp0, $4  }
0x32: {  	_ = 	snop  }
0x33: {  	s28 =	simm.s32 $0x4;
	s24 =	simm.s32 $0x2080  }
0x34: {  	[spmem:s2] =	stream.indirect.scatter.add.f32 [tilespmem:s20], [sflag:$0x3], $0x80, s24, s19, $0xb8;
	[tilespmem:$0x1FC00] =	vst v63  }
0x35: {  	s29 =	simm.s32 $0x2000;
	s26 =	simm.s32 $0x180;
	_ =	swait.ge [sflag:s16], $0x4000  }
.LBB2_2:
0x36: {  	s25 =	sadd.s32 $0xFFFFFFFF, s25;
	[sflag:s16] =	ssyncset.done $0x0;
	s29 =	sadd.s32 $0x100, s29  }
0x37: {  	p0 =	sne.s32 s25, $0x0;
	[sflag:s16] =	ssyncadd.s32 $0xFFFFC000  }
0x38: {  	_ =	swait.ge [sflag:s18], $0x4000  }
0x39: {  	[sflag:s18] =	ssyncset.done $0x0  }
0x3a: {  	[sflag:s18] =	ssyncadd.s32 $0xFFFFC000  }
0x3b: {  	[tilespmem:s20], [sflag:$0x2] =	stream.indirect.gather [hbm4b:s1+s19], $0x80, s26, s19, $0xb8;
	[tilespmem:$0x1FC00] =	vst v63  }
0x3c: {  	_ = 	snop  }
0x3d: {  	[spmem:s2] =	stream.indirect.scatter.add.f32 [tilespmem:s17], [sflag:$0x3], $0x80, s29, s19, $0xb8;
	[tilespmem:$0x1FC00] =	vst v63  }
0x3e: {  	_ =	swait.ge [sflag:s16], $0x4000  }
0x3f: {  	[sflag:s16] =	ssyncset.done $0x0  }
0x40: {  	[sflag:s16] =	ssyncadd.s32 $0xFFFFC000  }
0x41: {  	_ =	swait.ge [sflag:s21], $0x4000  }
0x42: {  	p1 =	sge.u32 s28, s7;
	[sflag:s21] =	ssyncset.done $0x0  }
0x43: {  	s30 =	sadd.s32 @!p1 $0x80, s26;
	s31 =	simm.s32 @!p1 $0x80;
	[sflag:s21] =	ssyncadd.s32 $0xFFFFC000  }
.Ltmp1:
0x44: {  	s0 =	simm.s32 @!p1 $0x4000;
	s3 =	sadd.s32 $0x80, s29;
	(pc) =	sbr.rel @p0 .LBB2_2-.Ltmp1, $4  }
0x45: {  	[tilespmem:s0], [sflag:$0x1] =	stream.indirect.gather @!p1 [hbm4b:s1+s31], $0x80, s30, s31, $0xb8;
	[tilespmem:$0x1FC00] =	vst v63  }
0x46: {  	_ = 	snop  }
0x47: {  	[spmem:s2] =	stream.indirect.scatter.add.f32 [tilespmem:s20], [sflag:$0x3], $0x80, s3, s19, $0xb8;
	[tilespmem:$0x1FC00] =	vst v63  }
0x48: {  	s28 =	sadd.s32 $0x2, s28;
	s26 =	sadd.s32 $0x100, s26;
	_ =	swait.ge [sflag:s16], $0x4000  }
.LBB2_3:
0x49: {  	[sflag:s16] =	ssyncset.done $0x0  }
0x4a: {  	[sflag:s16] =	ssyncadd.s32 $0xFFFFC000  }
0x4b: {  	[tilespmem:s4], [sflag:$0x3] =	stream.linear.gather [hbm4b:s11+s4], $0x2000, $0x38;
	[tilespmem:$0x1FC00] =	vst v63  }
0x4c: {  	_ =	swait.ge [sflag:s16], $0x2000  }
0x4d: {  	[sflag:s16] =	ssyncset.done $0x0  }
0x4e: {  	[sflag:s16] =	ssyncadd.s32 $0xFFFFE000  }
0x4f: {  	[tilespmem:s23], [sflag:$0x3] =	stream.linear.gather [hbm4b:s12+s4], $0x2000, $0x38;
	[tilespmem:$0x1FC00] =	vst v63  }
0x50: {  	_ =	swait.ge [sflag:s16], $0x2000  }
0x51: {  	[sflag:s16] =	ssyncset.done $0x0  }
0x52: {  	s0 =	simm.s32 $0x80;
	[sflag:s16] =	ssyncadd.s32 $0xFFFFE000  }
0x53: {  	[tilespmem:s17], [sflag:$0x1] =	stream.indirect.gather [hbm4b:s1+s0], $0x80, s4, s0, $0xb8;
	[tilespmem:$0x1FC00] =	vst v63  }
0x54: {  	_ =	swait.ge [sflag:s18], $0x4000  }
0x55: {  	[sflag:s18] =	ssyncset.done $0x0  }
0x56: {  	[sflag:s18] =	ssyncadd.s32 $0xFFFFC000  }
0x57: {  	[tilespmem:s20], [sflag:$0x2] =	stream.indirect.gather [hbm4b:s1+s19], $0x80, s0, s19, $0xb8;
	[tilespmem:$0x1FC00] =	vst v63  }
0x58: {  	_ = 	snop  }
0x59: {  	[spmem:s2] =	stream.indirect.scatter.add.f32 [tilespmem:s17], [sflag:$0x3], $0x80, s23, s19, $0xb8;
	[tilespmem:$0x1FC00] =	vst v63  }
0x5a: {  	_ =	swait.ge [sflag:s16], $0x4000  }
0x5b: {  	[sflag:s16] =	ssyncset.done $0x0  }
0x5c: {  	[sflag:s16] =	ssyncadd.s32 $0xFFFFC000  }
0x5d: {  	p0 =	sle.u32 s7, $0x2;
	_ =	swait.ge [sflag:s21], $0x4000  }
0x5e: {  	s3 =	simm.s32 @!p0 $0x80;
	[sflag:s21] =	ssyncset.done $0x0  }
0x5f: {  	s25 =	simm.s32 @!p0 $0x4000;
	s0 =	simm.s32 @!p0 $0x100;
	[sflag:s21] =	ssyncadd.s32 $0xFFFFC000  }
0x60: {  	[tilespmem:s25], [sflag:$0x1] =	stream.indirect.gather @!p0 [hbm4b:s1+s3], $0x80, s0, s3, $0xb8;
	[tilespmem:$0x1FC00] =	vst v63  }
0x61: {  	s25 =	sadd.s32 $0xFFFFFFFF, s10  }
0x62: {  	p0 =	sne.s32 s25, $0x0  }
.Ltmp2:
0x63: {  	_ = 	snop;
	(pc) =	sbr.rel @!p0 .LBB2_5-.Ltmp2, $3  }
0x64: {  	_ =	sdelay $0x1  }
0x65: {  	[spmem:s2] =	stream.indirect.scatter.add.f32 [tilespmem:s20], [sflag:$0x3], $0x80, s24, s19, $0xb8;
	[tilespmem:$0x1FC00] =	vst v63  }
0x66: {  	s26 =	simm.s32 $0x4;
	s24 =	simm.s32 $0x180;
	_ =	swait.ge [sflag:s16], $0x4000  }
.LBB2_4:
0x67: {  	s25 =	sadd.s32 $0xFFFFFFFF, s25;
	[sflag:s16] =	ssyncset.done $0x0;
	s23 =	sadd.s32 $0x100, s23  }
0x68: {  	p0 =	sne.s32 s25, $0x0;
	[sflag:s16] =	ssyncadd.s32 $0xFFFFC000  }
0x69: {  	_ =	swait.ge [sflag:s18], $0x4000  }
0x6a: {  	[sflag:s18] =	ssyncset.done $0x0  }
0x6b: {  	[sflag:s18] =	ssyncadd.s32 $0xFFFFC000  }
0x6c: {  	[tilespmem:s20], [sflag:$0x2] =	stream.indirect.gather [hbm4b:s1+s19], $0x80, s24, s19, $0xb8;
	[tilespmem:$0x1FC00] =	vst v63  }
0x6d: {  	_ = 	snop  }
0x6e: {  	[spmem:s2] =	stream.indirect.scatter.add.f32 [tilespmem:s17], [sflag:$0x3], $0x80, s23, s19, $0xb8;
	[tilespmem:$0x1FC00] =	vst v63  }
0x6f: {  	_ =	swait.ge [sflag:s16], $0x4000  }
0x70: {  	[sflag:s16] =	ssyncset.done $0x0  }
0x71: {  	[sflag:s16] =	ssyncadd.s32 $0xFFFFC000  }
0x72: {  	_ =	swait.ge [sflag:s21], $0x4000  }
0x73: {  	p1 =	sge.u32 s26, s7;
	[sflag:s21] =	ssyncset.done $0x0  }
0x74: {  	s0 =	sadd.s32 @!p1 $0x80, s24;
	s3 =	simm.s32 @!p1 $0x80;
	[sflag:s21] =	ssyncadd.s32 $0xFFFFC000  }
.Ltmp3:
0x75: {  	s28 =	simm.s32 @!p1 $0x4000;
	s29 =	sadd.s32 $0x80, s23;
	(pc) =	sbr.rel @p0 .LBB2_4-.Ltmp3, $4  }
0x76: {  	[tilespmem:s28], [sflag:$0x1] =	stream.indirect.gather @!p1 [hbm4b:s1+s3], $0x80, s0, s3, $0xb8;
	[tilespmem:$0x1FC00] =	vst v63  }
0x77: {  	_ = 	snop  }
0x78: {  	[spmem:s2] =	stream.indirect.scatter.add.f32 [tilespmem:s20], [sflag:$0x3], $0x80, s29, s19, $0xb8;
	[tilespmem:$0x1FC00] =	vst v63  }
0x79: {  	s26 =	sadd.s32 $0x2, s26;
	s24 =	sadd.s32 $0x100, s24;
	_ =	swait.ge [sflag:s16], $0x4000  }
.LBB2_5:
0x7a: {  	[sflag:s16] =	ssyncset.done $0x0;
	s22 =	sadd.s32 $0x1, s22  }
0x7b: {  	[sflag:s16] =	ssyncadd.s32 $0xFFFFC000;
	p0 =	sne.s32 s22, s14  }
.Ltmp4:
0x7c: {  	[bflag:$0x0] =	sbarrier.arrive $0xFFFF;
	(pc) =	sbr.rel @p0 .LBB2_1-.Ltmp4, $4  }
0x7d: {  	[hbm:s13], [sflag:s6] =	dma.local [spmem:s15], $0x2780  }
0x7e: {  	_ =	swait.ge [sflag:s16], $0x2780  }
0x7f: {  	[sflag:s16] =	ssyncset.done $0x0  }
0x80: {  	[sflag:s16] =	ssyncadd.s32 $0xFFFFD880  }
0x81: {  	_ =	sfence.sel $0x180000  }
0x82: {  	[bflag:$0x0] =	sbarrier.arrive $0xFFFF  }
0x83: {  	_ =	strace $0x9000004D  }
0x84: {  	s0 =	stileid.u32;
	[bflag:$0x2] =	sbarrier.arrive $0xFFFF  }
0x85: {  	p0 =	sne.s32 s0, $0x0;
	s0 =	rddreg [dreg:$0x3]  }
0x86: {  	s0 =	sadd.s32 @!p0 $0x100000, s0  }
0x87: {  	[sflag:s0] =	ssyncadd.tile.s32 @!p0 $0x1;
	_ =	shalt  }
.Lfunc_end2:
_tile_overlayer_lowered:
.L_overlay_start_2:
0x88: {  	(tag) =	ssettag $0x2  }
0x89: {  	s0 =	rddreg [dreg:$0x0];
	s2 =	stileid.u32  }
0x8a: {  	s1 =	rddreg [dreg:$0x1];
	p0 =	sne.s32 s2, $0x0  }
0x8b: {  	s3 =	rddreg [dreg:$0x2];
	[bflag:$0x3] =	sbarrier.arrive $0xFFFF;
	s2 =	simm.s32 @!p0 $0x1C03  }
0x8c: {  	[timem:s3], [sflag:s2] =	dma.local @!p0 [hbm:s0], s1  }
0x8d: {  	s0 =	simm.s32 @!p0 $0x3  }
0x8e: {  	_ =	swait.ge @!p0 [sflag:s0], s1  }
0x8f: {  	s1 =	ssub.s32 @!p0 $0x0, s1;
	[sflag:s0] =	ssyncset.done @!p0 $0x0  }
0x90: {  	[sflag:s0] =	ssyncadd.s32 @!p0 s1  }
0x91: {  	[bflag:$0x3] =	sbarrier.arrive $0xFFFF  }
0x92: {  	_ =	shalt  }

// kernel: kernel.8.cloned.1.call-start
scs
__scs_entry_jumppad:
0x0: {  	(pc) =	sbr.rel $0x88, $3  }
0x1: {  	(tag) =	ssettag $0x0;
	lr =	simm.s32 $0x1  }
0x2: {  	[smem:$0x3F9B] =	sst lr;
	_ =	strace $0xD0000000  }
0x3: {  	_ = 	snop  }
0x4: {  	_ = 	snop  }
0x5: {  	_ = 	snop  }
0x6: {  	_ = 	snop  }
0x7: {  	_ = 	snop  }
__scs_overlays_trampoline_lowered:
0x8: {  	[smem:$0x3FAA] =	sst s0  }
0x9: {  	[smem:$0x3FAB] =	sst s1  }
0xa: {  	[smem:$0x3FAC] =	sst s2  }
0xb: {  	[smem:$0x3FAD] =	sst s3  }
0xc: {  	[smem:$0x3FAE] =	sst s4  }
0xd: {  	[smem:$0x3FAF] =	sst s5  }
0xe: {  	[smem:$0x3FB0] =	sst s6  }
0xf: {  	[smem:$0x3FB1] =	sst s7  }
0x10: {  	[smem:$0x3FB2] =	sst s8  }
0x11: {  	[smem:$0x3FB3] =	sst s9;
	s0 =	simm.s32 @!p0 $0x0  }
0x12: {  	s1 =	sld [smem:$0x3F99];
	s0 =	simm.s32 @p0 $0x1  }
0x13: {  	[smem:$0x3FB4] =	sst s0;
	s0 =	simm.s32 @!p1 $0x0  }
0x14: {  	s2 =	sld [smem:$0x3F98];
	s0 =	simm.s32 @p1 $0x1  }
0x15: {  	[smem:$0x3FB5] =	sst s0;
	s0 =	simm.s32 @!p2 $0x0  }
0x16: {  	s3 =	sld [smem:$0x3FDB];
	s0 =	simm.s32 @p2 $0x1  }
0x17: {  	s4 =	simm.s32 $0x1BF5;
	[smem:$0x3FB7] =	sst s0  }
0x18: {  	s0 =	sld [smem:$0x3F9A];
	_ =	swait.ge [sflag:s4], $0x0  }
0x19: {  	s7 =	sld [smem:$0x3F9B]  }
0x1a: {  	s8 =	sadd.s32 $0xFFFFE003, lr  }
0x1b: {  	s9 =	sadd.s32 $0xFFFFFEF7, lr;
	s5 =	simm.s32 $0xFFFFFFFF;
	p2 =	slt.u32 s8, $0xFFFFF086  }
0x1c: {  	p1 =	slt.u32 s9, $0xF7A;
	s5 =	simm.s32 @!p2 $0x0  }
0x1d: {  	s5 =	simm.s32 @p1 $0x1;
	p0 =	seq.s32 s7, s2  }
0x1e: {  	s7 =	smul.u32 @!p0 $0xF7A, s2;
	p2 =	seq.s32 @!p0 s5, $0x0  }
0x1f: {  	s9 =	smul.u32 $0xF7A, s1;
	s8 =	simm.s32 @!p0 $0x1BF5;
	p2 =	por !p2, p0  }
0x20: {  	[sflag:s8] =	ssyncset.s32 @!p0 $0xFFFFF086;
	s6 =	sadd.s32 @!p0 s3, s7;
	s7 =	simm.s32 @!p0 $0x108  }
0x21: {  	s3 =	sadd.s32 s3, s9;
	s6 =	sadd.s32 @!p0 $0x88, s6;
	s7 =	simm.s32 @p2 $0x1082  }
0x22: {  	[simem:s7], [sflag:s8] =	dma.local @!p0 [hbm:s6], $0xF7A  }
0x23: {  	s9 =	sor.u32 $0xD0000000, s2;
	s6 =	simm.s32 $0x108;
	_ =	swait.ge @!p0 [sflag:s8], $0x0  }
0x24: {  	s3 =	sadd.s32 $0x88, s3;
	s6 =	simm.s32 @!p1 $0x1082;
	[sflag:s4] =	ssyncset.s32 $0xFFFFF086  }
0x25: {  	[simem:s6], [sflag:s4] =	dma.local [hbm:s3], $0xF7A  }
0x26: {  	[smem:$0x3F9B] =	sst s1;
	(tag) =	ssettag s2;
	_ =	strace s9  }
0x27: {  	s1 =	sld [smem:$0x3FAB]  }
0x28: {  	s2 =	sld [smem:$0x3FAC]  }
0x29: {  	s4 =	sld [smem:$0x3FAE]  }
0x2a: {  	p0 =	seq.s32 s5, $0x0;
	s5 =	sld [smem:$0x3FAF]  }
0x2b: {  	s6 =	sld [smem:$0x3FB0]  }
0x2c: {  	s7 =	sld [smem:$0x3FB1]  }
0x2d: {  	s3 =	simm.s32 $0x108;
	s8 =	sld [smem:$0x3FB2]  }
0x2e: {  	s3 =	simm.s32 @!p0 $0x1082;
	s9 =	sld [smem:$0x3FB3]  }
0x2f: {  	lr =	sadd.s32 s0, s3;
	s0 =	sld [smem:$0x3FAA]  }
0x30: {  	s3 =	sld [smem:$0x3FAD]  }
0x31: {  	[smem:$0x3FB6] =	sst s10  }
0x32: {  	s10 =	sld [smem:$0x3FB4];
	_ =	sdelay $0x3  }
0x33: {  	p0 =	seq.s32 s10, $0x1;
	s10 =	sld [smem:$0x3FB6];
	_ =	sdelay $0x3  }
0x34: {  	[smem:$0x3FB6] =	sst s10  }
0x35: {  	s10 =	sld [smem:$0x3FB5];
	_ =	sdelay $0x3  }
0x36: {  	p1 =	seq.s32 s10, $0x1;
	s10 =	sld [smem:$0x3FB6];
	_ =	sdelay $0x3  }
0x37: {  	[smem:$0x3FB6] =	sst s10  }
0x38: {  	s10 =	sld [smem:$0x3FB7]  }
0x39: {  	_ = 	snop;
	(pc) =	sbr.ind lr, $3  }
0x3a: {  	_ = 	snop  }
0x3b: {  	_ = 	snop  }
0x3c: {  	p2 =	seq.s32 s10, $0x1;
	s10 =	sld [smem:$0x3FB6]  }
0x3d: {  	_ =	shalt  }
0x3e: {  	_ =	shalt  }
0x3f: {  	_ =	shalt  }
0x40: {  	_ =	shalt  }
0x41: {  	_ =	shalt  }
0x42: {  	_ =	shalt  }
0x43: {  	_ =	shalt  }
0x44: {  	_ =	shalt  }
0x45: {  	_ =	shalt  }
0x46: {  	_ =	shalt  }
0x47: {  	_ =	shalt  }
0x48: {  	_ =	shalt  }
0x49: {  	_ =	shalt  }
0x4a: {  	_ =	shalt  }
0x4b: {  	_ =	shalt  }
0x4c: {  	_ =	shalt  }
0x4d: {  	_ =	shalt  }
0x4e: {  	_ =	shalt  }
0x4f: {  	_ =	shalt  }
0x50: {  	_ =	shalt  }
0x51: {  	_ =	shalt  }
0x52: {  	_ =	shalt  }
0x53: {  	_ =	shalt  }
0x54: {  	_ =	shalt  }
0x55: {  	_ =	shalt  }
0x56: {  	_ =	shalt  }
0x57: {  	_ =	shalt  }
0x58: {  	_ =	shalt  }
0x59: {  	_ =	shalt  }
0x5a: {  	_ =	shalt  }
0x5b: {  	_ =	shalt  }
0x5c: {  	_ =	shalt  }
0x5d: {  	_ =	shalt  }
0x5e: {  	_ =	shalt  }
0x5f: {  	_ =	shalt  }
0x60: {  	_ =	shalt  }
0x61: {  	_ =	shalt  }
0x62: {  	_ =	shalt  }
0x63: {  	_ =	shalt  }
0x64: {  	_ =	shalt  }
0x65: {  	_ =	shalt  }
0x66: {  	_ =	shalt  }
0x67: {  	_ =	shalt  }
0x68: {  	_ =	shalt  }
0x69: {  	_ =	shalt  }
0x6a: {  	_ =	shalt  }
0x6b: {  	_ =	shalt  }
0x6c: {  	_ =	shalt  }
0x6d: {  	_ =	shalt  }
0x6e: {  	_ =	shalt  }
0x6f: {  	_ =	shalt  }
0x70: {  	_ =	shalt  }
0x71: {  	_ =	shalt  }
0x72: {  	_ =	shalt  }
0x73: {  	_ =	shalt  }
0x74: {  	_ =	shalt  }
0x75: {  	_ =	shalt  }
0x76: {  	_ =	shalt  }
0x77: {  	_ =	shalt  }
0x78: {  	_ =	shalt  }
0x79: {  	_ =	shalt  }
0x7a: {  	_ =	shalt  }
0x7b: {  	_ =	shalt  }
0x7c: {  	_ =	shalt  }
0x7d: {  	_ =	shalt  }
0x7e: {  	_ =	shalt  }
0x7f: {  	_ =	shalt  }
0x80: {  	_ =	shalt  }
0x81: {  	_ =	shalt  }
0x82: {  	_ =	shalt  }
0x83: {  	_ =	shalt  }
0x84: {  	_ =	shalt  }
0x85: {  	_ =	shalt  }
0x86: {  	_ =	shalt  }
0x87: {  	_ =	shalt  }
.Lfunc_end0:
.L_simem_size_0:
called_computation_lowered:
.L_overlay_start_0:
0x88: {  	s2 =	sld [smem:$0x3FD9]  }
0x89: {  	s3 =	sld [smem:$0x3FFE];
	_ =	sdelay $0x1  }
0x8a: {  	s1 =	srdreg.scid  }
0x8b: {  	s0 =	sand.u32 $0x1, s1  }
0x8c: {  	s17 =	sshll.u32 s0, $0xA;
	s2 =	sadd.s32 s3, s2  }
0x8d: {  	s2 =	sadd.s32 s2, s17  }
0x8e: {  	[smem:$0x3FC2] =	sst s2  }
0x8f: {  	_ = 	snop  }
0x90: {  	s2 =	sld [smem:$0x3FD0];
	(tm) =	ssettm $0x1  }
0x91: {  	s18 =	sld [smem:$0x3FFB];
	_ =	sdelay $0x3  }
0x92: {  	_ =	strace s18  }
0x93: {  	s3 =	sld [smem:$0x3FFC];
	_ =	sdelay $0x3  }
0x94: {  	_ =	strace s3  }
0x95: {  	s3 =	sld [smem:$0x3FFD];
	_ =	sdelay $0x3  }
0x96: {  	_ =	strace s3  }
0x97: {  	_ =	strace $0x8FFFFFFF  }
0x98: {  	s19 =	sld [smem:$0x3FDB];
	_ =	sdelay $0x1  }
0x99: {  	s4 =	simm.s32 $_scs_section_size  }
0x9a: {  	s5 =	simm.s32 $_size__tile_overlayer_lowered;
	s6 =	simm.s32 $_tile_overlayer_lowered  }
0x9b: {  	s22 =	simm.s32 $0x1BFF;
	s21 =	sshll.u32 s6, $0x1;
	s3 =	sadd.s32 s4, s19  }
0x9c: {  	s7 =	simm.s32 $0x0;
	s20 =	sshll.u32 s5, $0x1;
	s5 =	sadd.s32 s21, s3  }
0x9d: {  	[timem:s7], [sflag:s22] =	dma.local [hbm:s5], s20  }
0x9e: {  	_ =	swait.ge [sflag:s22], s20  }
0x9f: {  	s4 =	ssub.s32 $0x0, s20;
	[sflag:s22] =	ssyncset.done $0x0  }
0xa0: {  	[sflag:s22] =	ssyncadd.s32 s4;
	_ =	sdelay $0x1  }
0xa1: {  	s23 =	simm.s32 $0x1B8B  }
0xa2: {  	_ =	swait.ge [sflag:s23], $0x1  }
0xa3: {  	[sflag:s23] =	ssyncset.done $0x0  }
0xa4: {  	s25 =	simm.s32 $0x1B8E;
	s24 =	sld [smem:$0x3FFE];
	[sflag:s23] =	ssyncadd.s32 $0xFFFFFFFF  }
0xa5: {  	s26 =	simm.s32 $execute0_lowered;
	[smem:$0x3FD2] =	sst s25  }
0xa6: {  	s5 =	sshll.u32 s26, $0x1;
	_ =	strace $0x80000046;
	[dreg:$0x1] =	wrdreg $0xFFFFFFFF  }
0xa7: {  	s28 =	simm.s32 $_size_execute0_lowered;
	s3 =	sadd.s32 s3, s5;
	[dreg:$0x0] =	wrdreg $0x0  }
0xa8: {  	s5 =	sshll.u32 s28, $0x1;
	[dreg:$0x2] =	wrdreg s3  }
0xa9: {  	[dreg:$0x3] =	wrdreg s5  }
0xaa: {  	[dreg:$0x4] =	wrdreg $0xC0  }
0xab: {  	_ =	task [dreg:s7], $0x5FFFF  }
0xac: {  	[dreg:$0x1] =	wrdreg $0xFFFFFFFF  }
0xad: {  	[dreg:$0x0] =	wrdreg $0x60  }
0xae: {  	[dreg:$0x2] =	wrdreg s24  }
0xaf: {  	[dreg:$0x3] =	wrdreg s2  }
0xb0: {  	[dreg:$0x4] =	wrdreg $0x68000  }
0xb1: {  	[dreg:$0x5] =	wrdreg $0x9  }
0xb2: {  	_ =	task.clear_ibuf [dreg:s7], $0x6FFFF;
	_ =	strace $0x90000046  }
0xb3: {  	s29 =	simm.s32 $0x9;
	_ =	strace $0x80000048  }
0xb4: {  	_ =	swait.ge [sflag:s29], $0x1  }
0xb5: {  	[sflag:s29] =	ssyncadd.s32 $0xFFFFFFFF  }
0xb6: {  	_ =	strace $0x90000048  }
0xb7: {  	_ =	sfence  }
0xb8: {  	s30 =	sld [smem:$0x0];
	_ =	sdelay $0x2  }
0xb9: {  	s31 =	sshll.u32 s1, $0xD;
	s1 =	sshrl.u32 s1, $0x2  }
0xba: {  	s3 =	sand.u32 $0x4000, s31;
	s1 =	sadd.s32 s1, s30  }
0xbb: {  	s0 =	sor.u32 s3, s0;
	s1 =	sshll.u32 s1, $0x11  }
0xbc: {  	s0 =	sor.u32 s1, s0  }
0xbd: {  	s0 =	sadd.s32 $0x8F2B, s0  }
0xbe: {  	[sflag:s0] =	ssyncadd.remote.s32 $0x1  }
0xbf: {  	_ =	sfence.sel $0xFFFF  }
0xc0: {  	[dreg:$0x0] =	wrdreg $0xFFFFFFFF;
	(pc) =	sbr.abs _section_cstart, $3  }
0xc1: {  	[dreg:$0x1] =	wrdreg $0xFFFFFFFF  }
0xc2: {  	_ =	task.clear_ibuf [dreg:s7], $0x2FFFF;
	_ =	strace $0x9FFFFFFF  }
0xc3: {  	(tm) =	ssettm $0x7FFFFFFF  }
tec
execute0_lowered:
.L_overlay_start_1:
0x0: {  	(tag) =	ssettag $0x1  }
0x1: {  	s7 =	rddreg [dreg:$0x0]  }
0x2: {  	s0 =	srdreg.scid;
	s2 =	rddreg [dreg:$0x1]  }
0x3: {  	s3 =	rddreg [dreg:$0x2];
	s4 =	simm.s32 $0x0;
	s6 =	sand.u32 $0x1, s0  }
0x4: {  	s13 =	simm.s32 $0x80;
	s0 =	stileid.u32;
	s8 =	smul.u32 $0x13C000, s6  }
0x5: {  	s14 =	simm.s32 $0x0;
	[smem:$0x7FF] =	sst s4;
	s9 =	smul.u32 $0x13C00, s0  }
0x6: {  	s1 =	sshll.u32 s6, $0x4;
	s29 =	smul.u32 $0x4F000, s0;
	s6 =	ssub.s32 $0x2, s6  }
0x7: {  	s31 =	sshll.u32 s0, $0x6;
	s1 =	sor.u32 s0, s1;
	s30 =	sshrl.u32 s6, $0x1  }
0x8: {  	s5 =	smul.u32 $0x500, s1;
	s1 =	rddreg [dreg:$0x3];
	_ =	strace $0x80000047  }
0x9: {  	s8 =	sadd.s32 s9, s8;
	s9 =	sshrl.u32 s29, $0x2;
	s11 =	ssub.s32 s6, s30  }
0xa: {  	s6 =	sor.u32 $0x1C01, s31;
	s8 =	sshrl.u32 s8, $0x3;
	s12 =	sadd.s32 s9, s3  }
0xb: {  	s9 =	smax.u32 s11, $0x1;
	s11 =	simm.s32 $0x1;
	s10 =	sadd.s32 s5, s7  }
0xc: {  	s5 =	sadd.s32 $0x17000, s7;
	s8 =	sadd.s32 s8, s7;
	s7 =	sadd.s32 $0x2800, s10  }
0xd: {  	s8 =	sadd.s32 $0x19800, s8;
	s10 =	sshrl.u32 s12, $0x3;
	s12 =	simm.s32 $0x2800  }
.LBB2_1:
0xe: {  	[spmem:s10], [sflag:s6] =	dma.local [hbm:s5], $0x2780  }
0xf: {  	_ =	swait.ge [sflag:s11], $0x2780  }
0x10: {  	[sflag:s11] =	ssyncset.done $0x0  }
0x11: {  	[sflag:s11] =	ssyncadd.s32 $0xFFFFD880  }
0x12: {  	[tilespmem:s12], [sflag:$0x1] =	stream.linear.gather [hbm4b:s2+s4], $0x4000, $0x38;
	[tilespmem:$0x1A400] =	vst v63  }
0x13: {  	_ =	swait.ge [sflag:s11], $0x4000  }
0x14: {  	[sflag:s11] =	ssyncset.done $0x0  }
0x15: {  	[sflag:s11] =	ssyncadd.s32 $0xFFFFC000  }
0x16: {  	[tilespmem:s4], [sflag:$0x1] =	stream.linear.gather [hbm4b:s7+s4], $0x2800, $0x38;
	[tilespmem:$0x1A400] =	vst v63  }
0x17: {  	_ =	swait.ge [sflag:s11], $0x2800  }
0x18: {  	[sflag:s11] =	ssyncset.done $0x0  }
0x19: {  	[sflag:s11] =	ssyncadd.s32 $0xFFFFD800  }
0x1a: {  	s15 =	simm.s32 $0x0;
	[bflag:$0x0] =	sbarrier.arrive $0xFFFF  }
0x1b: {  	[spmem:s3] =	stream.indirect.scatter.add.f32 [tilespmem:s12], [sflag:$0x1], $0x80, s15, s13, $0xb8;
	[tilespmem:$0x1A400] =	vst v63  }
0x1c: {  	_ =	swait.ge [sflag:s11], $0x4000  }
0x1d: {  	s15 =	simm.s32 $0x200;
	[sflag:s11] =	ssyncset.done $0x0  }
.LBB2_2:
0x1e: {  	s16 =	sshra.s32 s15, $0x2;
	[sflag:s11] =	ssyncadd.s32 $0xFFFFC000;
	p0 =	sne.s32 s15, $0x9E00  }
0x1f: {  	[spmem:s3] =	stream.indirect.scatter.add.f32 [tilespmem:s12], [sflag:$0x1], $0x80, s16, s13, $0xb8;
	[tilespmem:$0x1A400] =	vst v63  }
.Ltmp0:
0x20: {  	_ = 	snop;
	(pc) =	sbr.rel @p0 .LBB2_2-.Ltmp0, $4  }
0x21: {  	_ = 	snop  }
0x22: {  	s15 =	sadd.s32 $0x200, s15  }
0x23: {  	_ =	swait.ge [sflag:s11], $0x4000  }
0x24: {  	[sflag:s11] =	ssyncset.done $0x0  }
0x25: {  	s14 =	sadd.s32 $0x1, s14  }
0x26: {  	[sflag:s11] =	ssyncadd.s32 $0xFFFFC000;
	p0 =	sne.s32 s14, s9  }
.Ltmp1:
0x27: {  	[bflag:$0x0] =	sbarrier.arrive $0xFFFF;
	(pc) =	sbr.rel @p0 .LBB2_1-.Ltmp1, $4  }
0x28: {  	[hbm:s8], [sflag:s6] =	dma.local [spmem:s10], $0x2780  }
0x29: {  	_ =	swait.ge [sflag:s11], $0x2780  }
0x2a: {  	[sflag:s11] =	ssyncset.done $0x0  }
0x2b: {  	[sflag:s11] =	ssyncadd.s32 $0xFFFFD880  }
0x2c: {  	_ =	sfence.sel $0x180000  }
0x2d: {  	[bflag:$0x0] =	sbarrier.arrive $0xFFFF  }
0x2e: {  	p0 =	sne.s32 s0, $0x0;
	_ =	strace $0x90000047  }
0x2f: {  	s0 =	sadd.s32 @!p0 $0x100000, s1;
	[bflag:$0x2] =	sbarrier.arrive $0xFFFF  }
0x30: {  	[sflag:s0] =	ssyncadd.tile.s32 @!p0 $0x1;
	_ =	shalt  }
.Lfunc_end2:
_tile_overlayer_lowered:
.L_overlay_start_2:
0x31: {  	(tag) =	ssettag $0x2  }
0x32: {  	s0 =	rddreg [dreg:$0x0];
	s2 =	stileid.u32  }
0x33: {  	s1 =	rddreg [dreg:$0x1];
	p0 =	sne.s32 s2, $0x0  }
0x34: {  	s3 =	rddreg [dreg:$0x2];
	[bflag:$0x3] =	sbarrier.arrive $0xFFFF;
	s2 =	simm.s32 @!p0 $0x1C01  }
0x35: {  	[timem:s3], [sflag:s2] =	dma.local @!p0 [hbm:s0], s1  }
0x36: {  	s0 =	simm.s32 @!p0 $0x1  }
0x37: {  	_ =	swait.ge @!p0 [sflag:s0], s1  }
0x38: {  	s1 =	ssub.s32 @!p0 $0x0, s1;
	[sflag:s0] =	ssyncset.done @!p0 $0x0  }
0x39: {  	[sflag:s0] =	ssyncadd.s32 @!p0 s1  }
0x3a: {  	[bflag:$0x3] =	sbarrier.arrive $0xFFFF  }
0x3b: {  	_ =	shalt  }

</sc_bundles>
